<compile_context>
chip_gen: v7x
topology: tpu7x:2x2x1
jax: 0.10.2.dev20260603
libtpu: 0.0.44.dev20260713+nightly
codegen_flags: <defaults>
</compile_context>

<pallas_src>
import functools

import jax
import jax.numpy as jnp
from jax import lax
from jax.experimental import pallas as pl
from jax.experimental.pallas import tpu as pltpu
from jax.experimental.pallas import tpu_sc as plsc

NC, NS = 2, 16
NW = NC * NS
CHUNK = 128
NB = 4
L = 16


@functools.partial(jax.jit, static_argnums=(2, 3, 4))
def _sc_gather_t(tok2d, tablep, s0, s1, D):
    n_chunks = tok2d.shape[0]
    cpw = n_chunks // NW
    bpj = s0 // CHUNK
    assert cpw % NB == 0 and cpw // NB >= 3
    mesh = plsc.VectorSubcoreMesh(core_axis_name="c", subcore_axis_name="s")

    @functools.partial(
        pl.kernel,
        out_type=jax.ShapeDtypeStruct((s1, D, s0), jnp.float32),
        mesh=mesh,
        scratch_types=[
            pltpu.VMEM((cpw, CHUNK), jnp.int32),
            pltpu.VMEM((NB, CHUNK, 2 * D), jnp.float32),
            pltpu.VMEM((2, D, CHUNK), jnp.float32),
            pltpu.SemaphoreType.DMA,
            pltpu.SemaphoreType.DMA,
        ],
        compiler_params=pltpu.CompilerParams(needs_layout_passes=False),
    )
    def k(tok_hbm, table_hbm, out_hbm,
          tok_v, bufs, bufTs, sem_g, sem_w):
        wid = lax.axis_index("s") * NC + lax.axis_index("c")
        c0 = wid * cpw
        pltpu.sync_copy(tok_hbm.at[pl.ds(c0, cpw)], tok_v)

        i16 = lax.iota(jnp.int32, 16)

        def start_gather(t, b):
            pltpu.async_copy(table_hbm.at[tok_v.at[t]], bufs.at[b], sem_g)

        def wait_gather():
            pltpu.make_async_copy(
                table_hbm.at[tok_v.at[0]], bufs.at[0], sem_g).wait()

        def start_write(t, wb):
            cid = c0 + t
            j = cid // bpj
            b0 = (cid % bpj) * CHUNK
            pltpu.async_copy(
                bufTs.at[wb], out_hbm.at[j, :, pl.ds(b0, CHUNK)], sem_w)

        def wait_write():
            pltpu.make_async_copy(
                bufTs.at[0], out_hbm.at[0, :, pl.ds(0, CHUNK)], sem_w).wait()

        def transpose(t, b, wb):
            src = bufs.at[b]
            dst = bufTs.at[wb]

            def kbody(kk, carry):
                row_v = i16 + kk * L
                col_v = row_v
                for d0 in range(0, D, 8):
                    work = []
                    for d in range(d0, d0 + 8):
                        diag = (i16 + d) & (D - 1)
                        work.append(
                            (diag,
                             plsc.load_gather(src, [row_v, diag])))
                    for diag, v in work:
                        plsc.store_scatter(dst, [diag, col_v], v)
                return carry

            lax.fori_loop(0, CHUNK // L, kbody, 0, unroll=False)

        for b in range(NB):
            start_gather(b, b)

        def chunk(t, carry):
            b = t & (NB - 1)
            wb = t & 1
            wait_gather()

            @pl.when(t >= 2)
            def _():
                wait_write()

            transpose(t, b, wb)
            start_write(t, wb)

            @pl.when(t + NB < cpw)
            def _():
                start_gather(t + NB, b)

            return carry

        lax.fori_loop(0, cpw, chunk, 0, unroll=False)

        for _ in range(2):
            wait_write()

    return k(tok2d, tablep)


def kernel(token_ids, embedding_lookup):
    s0, s1 = token_ids.shape
    V, D = embedding_lookup.shape
    tokT = token_ids.T
    tok2d = tokT.reshape((s0 * s1) // CHUNK, CHUNK)
    tablep = jnp.pad(embedding_lookup, ((0, 0), (0, D)))
    outP = _sc_gather_t(tok2d, tablep, s0, s1, D)
    return outP.transpose(2, 0, 1)

# --- scband reference (transcript-rebuilt; emitter-appended) ---
"""Pipeline reference for scband-embedding-32882269618582 (READ-ONLY COPY).

The authoritative reference and input builder live on the scoring server;
editing this copy changes nothing except your own understanding.
"""

import jax, jax.numpy as jnp
import numpy as np

NUM_EMBEDDINGS = 1000000
EMBEDDING_DIM = 64

def setup_inputs(seed: int = 0) -> dict:
    key = jax.random.key(seed)
    k1, k2 = jax.random.split(key)
    token_ids = jax.random.randint(k1, (16384, 50), 0, NUM_EMBEDDINGS, dtype=jnp.int64 if jax.config.jax_enable_x64 else jnp.int32)
    # trunc_normal_(mean=0, std=1, a=-3, b=3) approximated via truncated normal
    embedding_lookup = jax.random.truncated_normal(k2, -3.0, 3.0, (NUM_EMBEDDINGS, EMBEDDING_DIM), dtype=jnp.float32)
    return {"token_ids": token_ids, "embedding_lookup": embedding_lookup}

def reference(token_ids, embedding_lookup):
    # Faithful translation of: self.embedding_lookup[token_ids]
    return jnp.take(embedding_lookup, token_ids, axis=0)

if __name__ == "__main__":
    import jax
    _d = setup_inputs()
    print(jax.jit(kernel)(*tuple(_d.values())))

</pallas_src>

<mosaic_0001>
#map = affine_map<(d0, d1) -> (0, 0)>
#map1 = affine_map<(d0, d1) -> (0, 0, 0)>
module attributes {stable_mosaic.version = 14 : i64} {
  func.func @k(%arg0: i32, %arg1: i32, %arg2: memref<6400x128xi32, #tpu.memory_space<hbm>>, %arg3: memref<1000000x128xf32, #tpu.memory_space<hbm>>, %arg4: memref<50x64x16384xf32, #tpu.memory_space<hbm>>, %arg5: memref<200x128xi32, #tpu.memory_space<vmem>>, %arg6: memref<4x128x128xf32, #tpu.memory_space<vmem>>, %arg7: memref<2x64x128xf32, #tpu.memory_space<vmem>>, %arg8: memref<!tpu.dma_semaphore, #tpu.memory_space<semaphore_mem>>, %arg9: memref<!tpu.dma_semaphore, #tpu.memory_space<semaphore_mem>>) attributes {dimension_semantics = [#tpu.dimension_semantics<core_parallel>, #tpu.dimension_semantics<subcore_parallel>], iteration_bounds = array<i64: 2, 16>, scalar_prefetch = 0 : i64, scratch_operands = 5 : i64, tpu.core_type = #tpu.core_type<sc_vector_subcore>, window_params = [{transform_indices = #map}, {transform_indices = #map}, {transform_indices = #map1}]} {
    %mul3A = arith.constant 2 : i32
    %mul3A_0 = arith.muli %arg1, %mul3A : i32
    %add3A = arith.addi %mul3A_0, %arg0 : i32
    %mul3A_1 = arith.constant 200 : i32
    %mul3A_2 = arith.muli %add3A, %mul3A_1 : i32
    "tpu.region"() ({
      %run_scoped3A = tpu.sem_alloc : memref<!tpu.dma_semaphore, #tpu.memory_space<semaphore_mem>>
      %dma_start3A_90 = arith.constant 0 : i32
      %dma_start3A_91 = tpu.memref_slice %arg2[%mul3A_2, %dma_start3A_90] : memref<6400x128xi32, #tpu.memory_space<hbm>> -> memref<200x128xi32, #tpu.memory_space<hbm>>
      %dma_start3A_92 = arith.constant 0 : i32
      %dma_start3A_93 = tpu.memref_slice %arg2[%mul3A_2, %dma_start3A_92] : memref<6400x128xi32, #tpu.memory_space<hbm>> -> memref<200x128xi32, #tpu.memory_space<hbm>>
      tpu.enqueue_dma source(%dma_start3A_93 : memref<200x128xi32, #tpu.memory_space<hbm>>) target(%arg5 : memref<200x128xi32, #tpu.memory_space<vmem>>) target_semaphore(%run_scoped3A : memref<!tpu.dma_semaphore, #tpu.memory_space<semaphore_mem>>)
      %dma_wait3A_94 = arith.constant 0 : i32
      %dma_wait3A_95 = tpu.memref_slice %arg2[%mul3A_2, %dma_wait3A_94] : memref<6400x128xi32, #tpu.memory_space<hbm>> -> memref<200x128xi32, #tpu.memory_space<hbm>>
      %dma_wait3A_96 = arith.constant 0 : i32
      %dma_wait3A_97 = tpu.memref_slice %arg2[%mul3A_2, %dma_wait3A_96] : memref<6400x128xi32, #tpu.memory_space<hbm>> -> memref<200x128xi32, #tpu.memory_space<hbm>>
      tpu.wait_dma2 semaphore(%run_scoped3A : memref<!tpu.dma_semaphore, #tpu.memory_space<semaphore_mem>>) src(%dma_wait3A_97 : memref<200x128xi32, #tpu.memory_space<hbm>>) dst(%arg5 : memref<200x128xi32, #tpu.memory_space<vmem>>)
      tpu.yield
    }) : () -> ()
    %iota3A = tpu.iota {dimensions = array<i32: 0>} : vector<16xi32>
    %dma_start3A = arith.constant 0 : i32
    %dma_start3A_3 = arith.constant 0 : i32
    %dma_start3A_4 = arith.constant 0 : i32
    %dma_start3A_5 = arith.constant 0 : i32
    %dma_start3A_6 = tpu.memref_slice %arg6[%dma_start3A_3, %dma_start3A_4, %dma_start3A_5] : memref<4x128x128xf32, #tpu.memory_space<vmem>> -> memref<1x128x128xf32, #tpu.memory_space<vmem>>
    %dma_start3A_7 = tpu.memref_squeeze %dma_start3A_6 : memref<1x128x128xf32, #tpu.memory_space<vmem>> -> memref<128x128xf32, #tpu.memory_space<vmem>>
    %dma_start3A_8 = arith.constant 0 : i32
    %dma_start3A_9 = tpu.memref_slice %arg5[%dma_start3A, %dma_start3A_8] : memref<200x128xi32, #tpu.memory_space<vmem>> -> memref<1x128xi32, #tpu.memory_space<vmem>>
    %dma_start3A_10 = tpu.memref_squeeze %dma_start3A_9 : memref<1x128xi32, #tpu.memory_space<vmem>> -> memref<128xi32, #tpu.memory_space<vmem>>
    %dma_start3A_11 = arith.constant 0 : i32
    %dma_start3A_12 = arith.constant 0 : i32
    %dma_start3A_13 = tpu.memref_slice %arg3[%dma_start3A_11, %dma_start3A_12] : memref<1000000x128xf32, #tpu.memory_space<hbm>> -> memref<1000000x128xf32, #tpu.memory_space<hbm>>
    tpu.enqueue_indirect_dma source(%dma_start3A_13 : memref<1000000x128xf32, #tpu.memory_space<hbm>>) target(%dma_start3A_7 : memref<128x128xf32, #tpu.memory_space<vmem>>) offsets(%dma_start3A_10 : memref<128xi32, #tpu.memory_space<vmem>>) semaphore(%arg8 : memref<!tpu.dma_semaphore, #tpu.memory_space<semaphore_mem>>)
    %dma_start3A_14 = arith.constant 1 : i32
    %dma_start3A_15 = arith.constant 1 : i32
    %dma_start3A_16 = arith.constant 0 : i32
    %dma_start3A_17 = arith.constant 0 : i32
    %dma_start3A_18 = tpu.memref_slice %arg6[%dma_start3A_15, %dma_start3A_16, %dma_start3A_17] : memref<4x128x128xf32, #tpu.memory_space<vmem>> -> memref<1x128x128xf32, #tpu.memory_space<vmem>>
    %dma_start3A_19 = tpu.memref_squeeze %dma_start3A_18 : memref<1x128x128xf32, #tpu.memory_space<vmem>> -> memref<128x128xf32, #tpu.memory_space<vmem>>
    %dma_start3A_20 = arith.constant 0 : i32
    %dma_start3A_21 = tpu.memref_slice %arg5[%dma_start3A_14, %dma_start3A_20] : memref<200x128xi32, #tpu.memory_space<vmem>> -> memref<1x128xi32, #tpu.memory_space<vmem>>
    %dma_start3A_22 = tpu.memref_squeeze %dma_start3A_21 : memref<1x128xi32, #tpu.memory_space<vmem>> -> memref<128xi32, #tpu.memory_space<vmem>>
    %dma_start3A_23 = arith.constant 0 : i32
    %dma_start3A_24 = arith.constant 0 : i32
    %dma_start3A_25 = tpu.memref_slice %arg3[%dma_start3A_23, %dma_start3A_24] : memref<1000000x128xf32, #tpu.memory_space<hbm>> -> memref<1000000x128xf32, #tpu.memory_space<hbm>>
    tpu.enqueue_indirect_dma source(%dma_start3A_25 : memref<1000000x128xf32, #tpu.memory_space<hbm>>) target(%dma_start3A_19 : memref<128x128xf32, #tpu.memory_space<vmem>>) offsets(%dma_start3A_22 : memref<128xi32, #tpu.memory_space<vmem>>) semaphore(%arg8 : memref<!tpu.dma_semaphore, #tpu.memory_space<semaphore_mem>>)
    %dma_start3A_26 = arith.constant 2 : i32
    %dma_start3A_27 = arith.constant 2 : i32
    %dma_start3A_28 = arith.constant 0 : i32
    %dma_start3A_29 = arith.constant 0 : i32
    %dma_start3A_30 = tpu.memref_slice %arg6[%dma_start3A_27, %dma_start3A_28, %dma_start3A_29] : memref<4x128x128xf32, #tpu.memory_space<vmem>> -> memref<1x128x128xf32, #tpu.memory_space<vmem>>
    %dma_start3A_31 = tpu.memref_squeeze %dma_start3A_30 : memref<1x128x128xf32, #tpu.memory_space<vmem>> -> memref<128x128xf32, #tpu.memory_space<vmem>>
    %dma_start3A_32 = arith.constant 0 : i32
    %dma_start3A_33 = tpu.memref_slice %arg5[%dma_start3A_26, %dma_start3A_32] : memref<200x128xi32, #tpu.memory_space<vmem>> -> memref<1x128xi32, #tpu.memory_space<vmem>>
    %dma_start3A_34 = tpu.memref_squeeze %dma_start3A_33 : memref<1x128xi32, #tpu.memory_space<vmem>> -> memref<128xi32, #tpu.memory_space<vmem>>
    %dma_start3A_35 = arith.constant 0 : i32
    %dma_start3A_36 = arith.constant 0 : i32
    %dma_start3A_37 = tpu.memref_slice %arg3[%dma_start3A_35, %dma_start3A_36] : memref<1000000x128xf32, #tpu.memory_space<hbm>> -> memref<1000000x128xf32, #tpu.memory_space<hbm>>
    tpu.enqueue_indirect_dma source(%dma_start3A_37 : memref<1000000x128xf32, #tpu.memory_space<hbm>>) target(%dma_start3A_31 : memref<128x128xf32, #tpu.memory_space<vmem>>) offsets(%dma_start3A_34 : memref<128xi32, #tpu.memory_space<vmem>>) semaphore(%arg8 : memref<!tpu.dma_semaphore, #tpu.memory_space<semaphore_mem>>)
    %dma_start3A_38 = arith.constant 3 : i32
    %dma_start3A_39 = arith.constant 3 : i32
    %dma_start3A_40 = arith.constant 0 : i32
    %dma_start3A_41 = arith.constant 0 : i32
    %dma_start3A_42 = tpu.memref_slice %arg6[%dma_start3A_39, %dma_start3A_40, %dma_start3A_41] : memref<4x128x128xf32, #tpu.memory_space<vmem>> -> memref<1x128x128xf32, #tpu.memory_space<vmem>>
    %dma_start3A_43 = tpu.memref_squeeze %dma_start3A_42 : memref<1x128x128xf32, #tpu.memory_space<vmem>> -> memref<128x128xf32, #tpu.memory_space<vmem>>
    %dma_start3A_44 = arith.constant 0 : i32
    %dma_start3A_45 = tpu.memref_slice %arg5[%dma_start3A_38, %dma_start3A_44] : memref<200x128xi32, #tpu.memory_space<vmem>> -> memref<1x128xi32, #tpu.memory_space<vmem>>
    %dma_start3A_46 = tpu.memref_squeeze %dma_start3A_45 : memref<1x128xi32, #tpu.memory_space<vmem>> -> memref<128xi32, #tpu.memory_space<vmem>>
    %dma_start3A_47 = arith.constant 0 : i32
    %dma_start3A_48 = arith.constant 0 : i32
    %dma_start3A_49 = tpu.memref_slice %arg3[%dma_start3A_47, %dma_start3A_48] : memref<1000000x128xf32, #tpu.memory_space<hbm>> -> memref<1000000x128xf32, #tpu.memory_space<hbm>>
    tpu.enqueue_indirect_dma source(%dma_start3A_49 : memref<1000000x128xf32, #tpu.memory_space<hbm>>) target(%dma_start3A_43 : memref<128x128xf32, #tpu.memory_space<vmem>>) offsets(%dma_start3A_46 : memref<128xi32, #tpu.memory_space<vmem>>) semaphore(%arg8 : memref<!tpu.dma_semaphore, #tpu.memory_space<semaphore_mem>>)
    %scan3A = arith.constant 0 : i32
    %scan3A_50 = arith.constant 0 : i32
    %scan3A_51 = arith.constant 200 : i32
    %scan3A_52 = arith.addi %scan3A_50, %scan3A_51 : i32
    %scan3A_53 = arith.constant 1 : i32
    scf.for %scan3A_90 = %scan3A_50 to %scan3A_52 step %scan3A_53  : i32 {
      %and3A = arith.constant 3 : i32
      %and3A_91 = arith.andi %scan3A_90, %and3A : i32
      %and3A_92 = arith.constant 1 : i32
      %and3A_93 = arith.andi %scan3A_90, %and3A_92 : i32
      %dma_wait3A_94 = arith.constant 0 : i32
      %dma_wait3A_95 = arith.constant 0 : i32
      %dma_wait3A_96 = arith.constant 0 : i32
      %dma_wait3A_97 = arith.constant 0 : i32
      %dma_wait3A_98 = tpu.memref_slice %arg6[%dma_wait3A_95, %dma_wait3A_96, %dma_wait3A_97] : memref<4x128x128xf32, #tpu.memory_space<vmem>> -> memref<1x128x128xf32, #tpu.memory_space<vmem>>
      %dma_wait3A_99 = tpu.memref_squeeze %dma_wait3A_98 : memref<1x128x128xf32, #tpu.memory_space<vmem>> -> memref<128x128xf32, #tpu.memory_space<vmem>>
      %dma_wait3A_100 = arith.constant 0 : i32
      %dma_wait3A_101 = tpu.memref_slice %arg5[%dma_wait3A_94, %dma_wait3A_100] : memref<200x128xi32, #tpu.memory_space<vmem>> -> memref<1x128xi32, #tpu.memory_space<vmem>>
      %dma_wait3A_102 = tpu.memref_squeeze %dma_wait3A_101 : memref<1x128xi32, #tpu.memory_space<vmem>> -> memref<128xi32, #tpu.memory_space<vmem>>
      %dma_wait3A_103 = arith.constant 0 : i32
      %dma_wait3A_104 = arith.constant 0 : i32
      %dma_wait3A_105 = tpu.memref_slice %arg3[%dma_wait3A_103, %dma_wait3A_104] : memref<1000000x128xf32, #tpu.memory_space<hbm>> -> memref<1000000x128xf32, #tpu.memory_space<hbm>>
      tpu.wait_indirect_dma semaphore(%arg8 : memref<!tpu.dma_semaphore, #tpu.memory_space<semaphore_mem>>) src(%dma_wait3A_105 : memref<1000000x128xf32, #tpu.memory_space<hbm>>) dst(%dma_wait3A_99 : memref<128x128xf32, #tpu.memory_space<vmem>>)
      %ge3A = arith.constant 2 : i32
      %ge3A_106 = arith.cmpi sge, %scan3A_90, %ge3A : i32
      %convert_element_type3A = arith.extui %ge3A_106 : i1 to i32
      %cond3A = arith.constant 0 : i32
      %cond3A_107 = arith.cmpi ne, %convert_element_type3A, %cond3A : i32
      scf.if %cond3A_107 {
        %dma_wait3A_169 = arith.constant 0 : i32
        %dma_wait3A_170 = arith.constant 0 : i32
        %dma_wait3A_171 = arith.constant 0 : i32
        %dma_wait3A_172 = arith.constant 0 : i32
        %dma_wait3A_173 = tpu.memref_slice %arg7[%dma_wait3A_169, %dma_wait3A_171, %dma_wait3A_172] : memref<2x64x128xf32, #tpu.memory_space<vmem>> -> memref<1x64x128xf32, #tpu.memory_space<vmem>>
        %dma_wait3A_174 = tpu.memref_squeeze %dma_wait3A_173 : memref<1x64x128xf32, #tpu.memory_space<vmem>> -> memref<64x128xf32, #tpu.memory_space<vmem>>
        %dma_wait3A_175 = arith.constant 0 : i32
        %dma_wait3A_176 = arith.constant 0 : i32
        %dma_wait3A_177 = tpu.memref_slice %arg4[%dma_wait3A_170, %dma_wait3A_175, %dma_wait3A_176] : memref<50x64x16384xf32, #tpu.memory_space<hbm>> -> memref<1x64x128xf32, #tpu.memory_space<hbm>>
        %dma_wait3A_178 = tpu.memref_squeeze %dma_wait3A_177 : memref<1x64x128xf32, #tpu.memory_space<hbm>> -> memref<64x128xf32, #tpu.memory_space<hbm>>
        %dma_wait3A_179 = arith.constant 0 : i32
        %dma_wait3A_180 = arith.constant 0 : i32
        %dma_wait3A_181 = tpu.memref_slice %arg4[%dma_wait3A_170, %dma_wait3A_179, %dma_wait3A_180] : memref<50x64x16384xf32, #tpu.memory_space<hbm>> -> memref<1x64x128xf32, #tpu.memory_space<hbm>>
        %dma_wait3A_182 = tpu.memref_squeeze %dma_wait3A_181 : memref<1x64x128xf32, #tpu.memory_space<hbm>> -> memref<64x128xf32, #tpu.memory_space<hbm>>
        %dma_wait3A_183 = arith.constant 0 : i32
        %dma_wait3A_184 = arith.constant 0 : i32
        %dma_wait3A_185 = tpu.memref_slice %arg7[%dma_wait3A_169, %dma_wait3A_183, %dma_wait3A_184] : memref<2x64x128xf32, #tpu.memory_space<vmem>> -> memref<1x64x128xf32, #tpu.memory_space<vmem>>
        %dma_wait3A_186 = tpu.memref_squeeze %dma_wait3A_185 : memref<1x64x128xf32, #tpu.memory_space<vmem>> -> memref<64x128xf32, #tpu.memory_space<vmem>>
        tpu.wait_dma2 semaphore(%arg9 : memref<!tpu.dma_semaphore, #tpu.memory_space<semaphore_mem>>) src(%dma_wait3A_186 : memref<64x128xf32, #tpu.memory_space<vmem>>) dst(%dma_wait3A_182 : memref<64x128xf32, #tpu.memory_space<hbm>>)
      } else {
      }
      %scan3A_108 = arith.constant 0 : i32
      %scan3A_109 = arith.constant 0 : i32
      %scan3A_110 = arith.constant 8 : i32
      %scan3A_111 = arith.addi %scan3A_109, %scan3A_110 : i32
      %scan3A_112 = arith.constant 1 : i32
      scf.for %scan3A_169 = %scan3A_109 to %scan3A_111 step %scan3A_112  : i32 {
        %mul3A_170 = arith.constant 16 : i32
        %mul3A_171 = arith.muli %scan3A_169, %mul3A_170 : i32
        %add3A_172 = vector.broadcast %mul3A_171 : i32 to vector<16xi32>
        %add3A_173 = arith.addi %iota3A, %add3A_172 : vector<16xi32>
        %add3A_174 = arith.constant 0 : i32
        %add3A_175 = vector.broadcast %add3A_174 : i32 to vector<16xi32>
        %add3A_176 = arith.addi %iota3A, %add3A_175 : vector<16xi32>
        %and3A_177 = arith.constant 63 : i32
        %and3A_178 = vector.broadcast %and3A_177 : i32 to vector<16xi32>
        %and3A_179 = arith.andi %add3A_176, %and3A_178 : vector<16xi32>
        %gather3A = arith.constant 0 : i32
        %gather3A_180 = arith.constant 0 : i32
        %gather3A_181 = tpu.memref_slice %arg6[%and3A_91, %gather3A, %gather3A_180] : memref<4x128x128xf32, #tpu.memory_space<vmem>> -> memref<1x128x128xf32, #tpu.memory_space<vmem>>
        %gather3A_182 = tpu.memref_squeeze %gather3A_181 : memref<1x128x128xf32, #tpu.memory_space<vmem>> -> memref<128x128xf32, #tpu.memory_space<vmem>>
        %gather3A_183 = tpu.vector_load_idx %gather3A_182[%add3A_173, %and3A_179] : memref<128x128xf32, #tpu.memory_space<vmem>>[vector<16xi32>, vector<16xi32>], vector<16xf32>,
        %add3A_184 = arith.constant 1 : i32
        %add3A_185 = vector.broadcast %add3A_184 : i32 to vector<16xi32>
        %add3A_186 = arith.addi %iota3A, %add3A_185 : vector<16xi32>
        %and3A_187 = arith.constant 63 : i32
        %and3A_188 = vector.broadcast %and3A_187 : i32 to vector<16xi32>
        %and3A_189 = arith.andi %add3A_186, %and3A_188 : vector<16xi32>
        %gather3A_190 = arith.constant 0 : i32
        %gather3A_191 = arith.constant 0 : i32
        %gather3A_192 = tpu.memref_slice %arg6[%and3A_91, %gather3A_190, %gather3A_191] : memref<4x128x128xf32, #tpu.memory_space<vmem>> -> memref<1x128x128xf32, #tpu.memory_space<vmem>>
        %gather3A_193 = tpu.memref_squeeze %gather3A_192 : memref<1x128x128xf32, #tpu.memory_space<vmem>> -> memref<128x128xf32, #tpu.memory_space<vmem>>
        %gather3A_194 = tpu.vector_load_idx %gather3A_193[%add3A_173, %and3A_189] : memref<128x128xf32, #tpu.memory_space<vmem>>[vector<16xi32>, vector<16xi32>], vector<16xf32>,
        %add3A_195 = arith.constant 2 : i32
        %add3A_196 = vector.broadcast %add3A_195 : i32 to vector<16xi32>
        %add3A_197 = arith.addi %iota3A, %add3A_196 : vector<16xi32>
        %and3A_198 = arith.constant 63 : i32
        %and3A_199 = vector.broadcast %and3A_198 : i32 to vector<16xi32>
        %and3A_200 = arith.andi %add3A_197, %and3A_199 : vector<16xi32>
        %gather3A_201 = arith.constant 0 : i32
        %gather3A_202 = arith.constant 0 : i32
        %gather3A_203 = tpu.memref_slice %arg6[%and3A_91, %gather3A_201, %gather3A_202] : memref<4x128x128xf32, #tpu.memory_space<vmem>> -> memref<1x128x128xf32, #tpu.memory_space<vmem>>
        %gather3A_204 = tpu.memref_squeeze %gather3A_203 : memref<1x128x128xf32, #tpu.memory_space<vmem>> -> memref<128x128xf32, #tpu.memory_space<vmem>>
        %gather3A_205 = tpu.vector_load_idx %gather3A_204[%add3A_173, %and3A_200] : memref<128x128xf32, #tpu.memory_space<vmem>>[vector<16xi32>, vector<16xi32>], vector<16xf32>,
        %add3A_206 = arith.constant 3 : i32
        %add3A_207 = vector.broadcast %add3A_206 : i32 to vector<16xi32>
        %add3A_208 = arith.addi %iota3A, %add3A_207 : vector<16xi32>
        %and3A_209 = arith.constant 63 : i32
        %and3A_210 = vector.broadcast %and3A_209 : i32 to vector<16xi32>
        %and3A_211 = arith.andi %add3A_208, %and3A_210 : vector<16xi32>
        %gather3A_212 = arith.constant 0 : i32
        %gather3A_213 = arith.constant 0 : i32
        %gather3A_214 = tpu.memref_slice %arg6[%and3A_91, %gather3A_212, %gather3A_213] : memref<4x128x128xf32, #tpu.memory_space<vmem>> -> memref<1x128x128xf32, #tpu.memory_space<vmem>>
        %gather3A_215 = tpu.memref_squeeze %gather3A_214 : memref<1x128x128xf32, #tpu.memory_space<vmem>> -> memref<128x128xf32, #tpu.memory_space<vmem>>
        %gather3A_216 = tpu.vector_load_idx %gather3A_215[%add3A_173, %and3A_211] : memref<128x128xf32, #tpu.memory_space<vmem>>[vector<16xi32>, vector<16xi32>], vector<16xf32>,
        %add3A_217 = arith.constant 4 : i32
        %add3A_218 = vector.broadcast %add3A_217 : i32 to vector<16xi32>
        %add3A_219 = arith.addi %iota3A, %add3A_218 : vector<16xi32>
        %and3A_220 = arith.constant 63 : i32
        %and3A_221 = vector.broadcast %and3A_220 : i32 to vector<16xi32>
        %and3A_222 = arith.andi %add3A_219, %and3A_221 : vector<16xi32>
        %gather3A_223 = arith.constant 0 : i32
        %gather3A_224 = arith.constant 0 : i32
        %gather3A_225 = tpu.memref_slice %arg6[%and3A_91, %gather3A_223, %gather3A_224] : memref<4x128x128xf32, #tpu.memory_space<vmem>> -> memref<1x128x128xf32, #tpu.memory_space<vmem>>
        %gather3A_226 = tpu.memref_squeeze %gather3A_225 : memref<1x128x128xf32, #tpu.memory_space<vmem>> -> memref<128x128xf32, #tpu.memory_space<vmem>>
        %gather3A_227 = tpu.vector_load_idx %gather3A_226[%add3A_173, %and3A_222] : memref<128x128xf32, #tpu.memory_space<vmem>>[vector<16xi32>, vector<16xi32>], vector<16xf32>,
        %add3A_228 = arith.constant 5 : i32
        %add3A_229 = vector.broadcast %add3A_228 : i32 to vector<16xi32>
        %add3A_230 = arith.addi %iota3A, %add3A_229 : vector<16xi32>
        %and3A_231 = arith.constant 63 : i32
        %and3A_232 = vector.broadcast %and3A_231 : i32 to vector<16xi32>
        %and3A_233 = arith.andi %add3A_230, %and3A_232 : vector<16xi32>
        %gather3A_234 = arith.constant 0 : i32
        %gather3A_235 = arith.constant 0 : i32
        %gather3A_236 = tpu.memref_slice %arg6[%and3A_91, %gather3A_234, %gather3A_235] : memref<4x128x128xf32, #tpu.memory_space<vmem>> -> memref<1x128x128xf32, #tpu.memory_space<vmem>>
        %gather3A_237 = tpu.memref_squeeze %gather3A_236 : memref<1x128x128xf32, #tpu.memory_space<vmem>> -> memref<128x128xf32, #tpu.memory_space<vmem>>
        %gather3A_238 = tpu.vector_load_idx %gather3A_237[%add3A_173, %and3A_233] : memref<128x128xf32, #tpu.memory_space<vmem>>[vector<16xi32>, vector<16xi32>], vector<16xf32>,
        %add3A_239 = arith.constant 6 : i32
        %add3A_240 = vector.broadcast %add3A_239 : i32 to vector<16xi32>
        %add3A_241 = arith.addi %iota3A, %add3A_240 : vector<16xi32>
        %and3A_242 = arith.constant 63 : i32
        %and3A_243 = vector.broadcast %and3A_242 : i32 to vector<16xi32>
        %and3A_244 = arith.andi %add3A_241, %and3A_243 : vector<16xi32>
        %gather3A_245 = arith.constant 0 : i32
        %gather3A_246 = arith.constant 0 : i32
        %gather3A_247 = tpu.memref_slice %arg6[%and3A_91, %gather3A_245, %gather3A_246] : memref<4x128x128xf32, #tpu.memory_space<vmem>> -> memref<1x128x128xf32, #tpu.memory_space<vmem>>
        %gather3A_248 = tpu.memref_squeeze %gather3A_247 : memref<1x128x128xf32, #tpu.memory_space<vmem>> -> memref<128x128xf32, #tpu.memory_space<vmem>>
        %gather3A_249 = tpu.vector_load_idx %gather3A_248[%add3A_173, %and3A_244] : memref<128x128xf32, #tpu.memory_space<vmem>>[vector<16xi32>, vector<16xi32>], vector<16xf32>,
        %add3A_250 = arith.constant 7 : i32
        %add3A_251 = vector.broadcast %add3A_250 : i32 to vector<16xi32>
        %add3A_252 = arith.addi %iota3A, %add3A_251 : vector<16xi32>
        %and3A_253 = arith.constant 63 : i32
        %and3A_254 = vector.broadcast %and3A_253 : i32 to vector<16xi32>
        %and3A_255 = arith.andi %add3A_252, %and3A_254 : vector<16xi32>
        %gather3A_256 = arith.constant 0 : i32
        %gather3A_257 = arith.constant 0 : i32
        %gather3A_258 = tpu.memref_slice %arg6[%and3A_91, %gather3A_256, %gather3A_257] : memref<4x128x128xf32, #tpu.memory_space<vmem>> -> memref<1x128x128xf32, #tpu.memory_space<vmem>>
        %gather3A_259 = tpu.memref_squeeze %gather3A_258 : memref<1x128x128xf32, #tpu.memory_space<vmem>> -> memref<128x128xf32, #tpu.memory_space<vmem>>
        %gather3A_260 = tpu.vector_load_idx %gather3A_259[%add3A_173, %and3A_255] : memref<128x128xf32, #tpu.memory_space<vmem>>[vector<16xi32>, vector<16xi32>], vector<16xf32>,
        %scatter3A = arith.constant 0 : i32
        %scatter3A_261 = arith.constant 0 : i32
        %scatter3A_262 = tpu.memref_slice %arg7[%and3A_93, %scatter3A, %scatter3A_261] : memref<2x64x128xf32, #tpu.memory_space<vmem>> -> memref<1x64x128xf32, #tpu.memory_space<vmem>>
        %scatter3A_263 = tpu.memref_squeeze %scatter3A_262 : memref<1x64x128xf32, #tpu.memory_space<vmem>> -> memref<64x128xf32, #tpu.memory_space<vmem>>
        tpu.vector_store_idx %scatter3A_263[%and3A_179, %add3A_173], %gather3A_183 : memref<64x128xf32, #tpu.memory_space<vmem>>[vector<16xi32>, vector<16xi32>], vector<16xf32>,
        %scatter3A_264 = arith.constant 0 : i32
        %scatter3A_265 = arith.constant 0 : i32
        %scatter3A_266 = tpu.memref_slice %arg7[%and3A_93, %scatter3A_264, %scatter3A_265] : memref<2x64x128xf32, #tpu.memory_space<vmem>> -> memref<1x64x128xf32, #tpu.memory_space<vmem>>
        %scatter3A_267 = tpu.memref_squeeze %scatter3A_266 : memref<1x64x128xf32, #tpu.memory_space<vmem>> -> memref<64x128xf32, #tpu.memory_space<vmem>>
        tpu.vector_store_idx %scatter3A_267[%and3A_189, %add3A_173], %gather3A_194 : memref<64x128xf32, #tpu.memory_space<vmem>>[vector<16xi32>, vector<16xi32>], vector<16xf32>,
        %scatter3A_268 = arith.constant 0 : i32
        %scatter3A_269 = arith.constant 0 : i32
        %scatter3A_270 = tpu.memref_slice %arg7[%and3A_93, %scatter3A_268, %scatter3A_269] : memref<2x64x128xf32, #tpu.memory_space<vmem>> -> memref<1x64x128xf32, #tpu.memory_space<vmem>>
        %scatter3A_271 = tpu.memref_squeeze %scatter3A_270 : memref<1x64x128xf32, #tpu.memory_space<vmem>> -> memref<64x128xf32, #tpu.memory_space<vmem>>
        tpu.vector_store_idx %scatter3A_271[%and3A_200, %add3A_173], %gather3A_205 : memref<64x128xf32, #tpu.memory_space<vmem>>[vector<16xi32>, vector<16xi32>], vector<16xf32>,
        %scatter3A_272 = arith.constant 0 : i32
        %scatter3A_273 = arith.constant 0 : i32
        %scatter3A_274 = tpu.memref_slice %arg7[%and3A_93, %scatter3A_272, %scatter3A_273] : memref<2x64x128xf32, #tpu.memory_space<vmem>> -> memref<1x64x128xf32, #tpu.memory_space<vmem>>
        %scatter3A_275 = tpu.memref_squeeze %scatter3A_274 : memref<1x64x128xf32, #tpu.memory_space<vmem>> -> memref<64x128xf32, #tpu.memory_space<vmem>>
        tpu.vector_store_idx %scatter3A_275[%and3A_211, %add3A_173], %gather3A_216 : memref<64x128xf32, #tpu.memory_space<vmem>>[vector<16xi32>, vector<16xi32>], vector<16xf32>,
        %scatter3A_276 = arith.constant 0 : i32
        %scatter3A_277 = arith.constant 0 : i32
        %scatter3A_278 = tpu.memref_slice %arg7[%and3A_93, %scatter3A_276, %scatter3A_277] : memref<2x64x128xf32, #tpu.memory_space<vmem>> -> memref<1x64x128xf32, #tpu.memory_space<vmem>>
        %scatter3A_279 = tpu.memref_squeeze %scatter3A_278 : memref<1x64x128xf32, #tpu.memory_space<vmem>> -> memref<64x128xf32, #tpu.memory_space<vmem>>
        tpu.vector_store_idx %scatter3A_279[%and3A_222, %add3A_173], %gather3A_227 : memref<64x128xf32, #tpu.memory_space<vmem>>[vector<16xi32>, vector<16xi32>], vector<16xf32>,
        %scatter3A_280 = arith.constant 0 : i32
        %scatter3A_281 = arith.constant 0 : i32
        %scatter3A_282 = tpu.memref_slice %arg7[%and3A_93, %scatter3A_280, %scatter3A_281] : memref<2x64x128xf32, #tpu.memory_space<vmem>> -> memref<1x64x128xf32, #tpu.memory_space<vmem>>
        %scatter3A_283 = tpu.memref_squeeze %scatter3A_282 : memref<1x64x128xf32, #tpu.memory_space<vmem>> -> memref<64x128xf32, #tpu.memory_space<vmem>>
        tpu.vector_store_idx %scatter3A_283[%and3A_233, %add3A_173], %gather3A_238 : memref<64x128xf32, #tpu.memory_space<vmem>>[vector<16xi32>, vector<16xi32>], vector<16xf32>,
        %scatter3A_284 = arith.constant 0 : i32
        %scatter3A_285 = arith.constant 0 : i32
        %scatter3A_286 = tpu.memref_slice %arg7[%and3A_93, %scatter3A_284, %scatter3A_285] : memref<2x64x128xf32, #tpu.memory_space<vmem>> -> memref<1x64x128xf32, #tpu.memory_space<vmem>>
        %scatter3A_287 = tpu.memref_squeeze %scatter3A_286 : memref<1x64x128xf32, #tpu.memory_space<vmem>> -> memref<64x128xf32, #tpu.memory_space<vmem>>
        tpu.vector_store_idx %scatter3A_287[%and3A_244, %add3A_173], %gather3A_249 : memref<64x128xf32, #tpu.memory_space<vmem>>[vector<16xi32>, vector<16xi32>], vector<16xf32>,
        %scatter3A_288 = arith.constant 0 : i32
        %scatter3A_289 = arith.constant 0 : i32
        %scatter3A_290 = tpu.memref_slice %arg7[%and3A_93, %scatter3A_288, %scatter3A_289] : memref<2x64x128xf32, #tpu.memory_space<vmem>> -> memref<1x64x128xf32, #tpu.memory_space<vmem>>
        %scatter3A_291 = tpu.memref_squeeze %scatter3A_290 : memref<1x64x128xf32, #tpu.memory_space<vmem>> -> memref<64x128xf32, #tpu.memory_space<vmem>>
        tpu.vector_store_idx %scatter3A_291[%and3A_255, %add3A_173], %gather3A_260 : memref<64x128xf32, #tpu.memory_space<vmem>>[vector<16xi32>, vector<16xi32>], vector<16xf32>,
        %add3A_292 = arith.constant 8 : i32
        %add3A_293 = vector.broadcast %add3A_292 : i32 to vector<16xi32>
        %add3A_294 = arith.addi %iota3A, %add3A_293 : vector<16xi32>
        %and3A_295 = arith.constant 63 : i32
        %and3A_296 = vector.broadcast %and3A_295 : i32 to vector<16xi32>
        %and3A_297 = arith.andi %add3A_294, %and3A_296 : vector<16xi32>
        %gather3A_298 = arith.constant 0 : i32
        %gather3A_299 = arith.constant 0 : i32
        %gather3A_300 = tpu.memref_slice %arg6[%and3A_91, %gather3A_298, %gather3A_299] : memref<4x128x128xf32, #tpu.memory_space<vmem>> -> memref<1x128x128xf32, #tpu.memory_space<vmem>>
        %gather3A_301 = tpu.memref_squeeze %gather3A_300 : memref<1x128x128xf32, #tpu.memory_space<vmem>> -> memref<128x128xf32, #tpu.memory_space<vmem>>
        %gather3A_302 = tpu.vector_load_idx %gather3A_301[%add3A_173, %and3A_297] : memref<128x128xf32, #tpu.memory_space<vmem>>[vector<16xi32>, vector<16xi32>], vector<16xf32>,
        %add3A_303 = arith.constant 9 : i32
        %add3A_304 = vector.broadcast %add3A_303 : i32 to vector<16xi32>
        %add3A_305 = arith.addi %iota3A, %add3A_304 : vector<16xi32>
        %and3A_306 = arith.constant 63 : i32
        %and3A_307 = vector.broadcast %and3A_306 : i32 to vector<16xi32>
        %and3A_308 = arith.andi %add3A_305, %and3A_307 : vector<16xi32>
        %gather3A_309 = arith.constant 0 : i32
        %gather3A_310 = arith.constant 0 : i32
        %gather3A_311 = tpu.memref_slice %arg6[%and3A_91, %gather3A_309, %gather3A_310] : memref<4x128x128xf32, #tpu.memory_space<vmem>> -> memref<1x128x128xf32, #tpu.memory_space<vmem>>
        %gather3A_312 = tpu.memref_squeeze %gather3A_311 : memref<1x128x128xf32, #tpu.memory_space<vmem>> -> memref<128x128xf32, #tpu.memory_space<vmem>>
        %gather3A_313 = tpu.vector_load_idx %gather3A_312[%add3A_173, %and3A_308] : memref<128x128xf32, #tpu.memory_space<vmem>>[vector<16xi32>, vector<16xi32>], vector<16xf32>,
        %add3A_314 = arith.constant 10 : i32
        %add3A_315 = vector.broadcast %add3A_314 : i32 to vector<16xi32>
        %add3A_316 = arith.addi %iota3A, %add3A_315 : vector<16xi32>
        %and3A_317 = arith.constant 63 : i32
        %and3A_318 = vector.broadcast %and3A_317 : i32 to vector<16xi32>
        %and3A_319 = arith.andi %add3A_316, %and3A_318 : vector<16xi32>
        %gather3A_320 = arith.constant 0 : i32
        %gather3A_321 = arith.constant 0 : i32
        %gather3A_322 = tpu.memref_slice %arg6[%and3A_91, %gather3A_320, %gather3A_321] : memref<4x128x128xf32, #tpu.memory_space<vmem>> -> memref<1x128x128xf32, #tpu.memory_space<vmem>>
        %gather3A_323 = tpu.memref_squeeze %gather3A_322 : memref<1x128x128xf32, #tpu.memory_space<vmem>> -> memref<128x128xf32, #tpu.memory_space<vmem>>
        %gather3A_324 = tpu.vector_load_idx %gather3A_323[%add3A_173, %and3A_319] : memref<128x128xf32, #tpu.memory_space<vmem>>[vector<16xi32>, vector<16xi32>], vector<16xf32>,
        %add3A_325 = arith.constant 11 : i32
        %add3A_326 = vector.broadcast %add3A_325 : i32 to vector<16xi32>
        %add3A_327 = arith.addi %iota3A, %add3A_326 : vector<16xi32>
        %and3A_328 = arith.constant 63 : i32
        %and3A_329 = vector.broadcast %and3A_328 : i32 to vector<16xi32>
        %and3A_330 = arith.andi %add3A_327, %and3A_329 : vector<16xi32>
        %gather3A_331 = arith.constant 0 : i32
        %gather3A_332 = arith.constant 0 : i32
        %gather3A_333 = tpu.memref_slice %arg6[%and3A_91, %gather3A_331, %gather3A_332] : memref<4x128x128xf32, #tpu.memory_space<vmem>> -> memref<1x128x128xf32, #tpu.memory_space<vmem>>
        %gather3A_334 = tpu.memref_squeeze %gather3A_333 : memref<1x128x128xf32, #tpu.memory_space<vmem>> -> memref<128x128xf32, #tpu.memory_space<vmem>>
        %gather3A_335 = tpu.vector_load_idx %gather3A_334[%add3A_173, %and3A_330] : memref<128x128xf32, #tpu.memory_space<vmem>>[vector<16xi32>, vector<16xi32>], vector<16xf32>,
        %add3A_336 = arith.constant 12 : i32
        %add3A_337 = vector.broadcast %add3A_336 : i32 to vector<16xi32>
        %add3A_338 = arith.addi %iota3A, %add3A_337 : vector<16xi32>
        %and3A_339 = arith.constant 63 : i32
        %and3A_340 = vector.broadcast %and3A_339 : i32 to vector<16xi32>
        %and3A_341 = arith.andi %add3A_338, %and3A_340 : vector<16xi32>
        %gather3A_342 = arith.constant 0 : i32
        %gather3A_343 = arith.constant 0 : i32
        %gather3A_344 = tpu.memref_slice %arg6[%and3A_91, %gather3A_342, %gather3A_343] : memref<4x128x128xf32, #tpu.memory_space<vmem>> -> memref<1x128x128xf32, #tpu.memory_space<vmem>>
        %gather3A_345 = tpu.memref_squeeze %gather3A_344 : memref<1x128x128xf32, #tpu.memory_space<vmem>> -> memref<128x128xf32, #tpu.memory_space<vmem>>
        %gather3A_346 = tpu.vector_load_idx %gather3A_345[%add3A_173, %and3A_341] : memref<128x128xf32, #tpu.memory_space<vmem>>[vector<16xi32>, vector<16xi32>], vector<16xf32>,
        %add3A_347 = arith.constant 13 : i32
        %add3A_348 = vector.broadcast %add3A_347 : i32 to vector<16xi32>
        %add3A_349 = arith.addi %iota3A, %add3A_348 : vector<16xi32>
        %and3A_350 = arith.constant 63 : i32
        %and3A_351 = vector.broadcast %and3A_350 : i32 to vector<16xi32>
        %and3A_352 = arith.andi %add3A_349, %and3A_351 : vector<16xi32>
        %gather3A_353 = arith.constant 0 : i32
        %gather3A_354 = arith.constant 0 : i32
        %gather3A_355 = tpu.memref_slice %arg6[%and3A_91, %gather3A_353, %gather3A_354] : memref<4x128x128xf32, #tpu.memory_space<vmem>> -> memref<1x128x128xf32, #tpu.memory_space<vmem>>
        %gather3A_356 = tpu.memref_squeeze %gather3A_355 : memref<1x128x128xf32, #tpu.memory_space<vmem>> -> memref<128x128xf32, #tpu.memory_space<vmem>>
        %gather3A_357 = tpu.vector_load_idx %gather3A_356[%add3A_173, %and3A_352] : memref<128x128xf32, #tpu.memory_space<vmem>>[vector<16xi32>, vector<16xi32>], vector<16xf32>,
        %add3A_358 = arith.constant 14 : i32
        %add3A_359 = vector.broadcast %add3A_358 : i32 to vector<16xi32>
        %add3A_360 = arith.addi %iota3A, %add3A_359 : vector<16xi32>
        %and3A_361 = arith.constant 63 : i32
        %and3A_362 = vector.broadcast %and3A_361 : i32 to vector<16xi32>
        %and3A_363 = arith.andi %add3A_360, %and3A_362 : vector<16xi32>
        %gather3A_364 = arith.constant 0 : i32
        %gather3A_365 = arith.constant 0 : i32
        %gather3A_366 = tpu.memref_slice %arg6[%and3A_91, %gather3A_364, %gather3A_365] : memref<4x128x128xf32, #tpu.memory_space<vmem>> -> memref<1x128x128xf32, #tpu.memory_space<vmem>>
        %gather3A_367 = tpu.memref_squeeze %gather3A_366 : memref<1x128x128xf32, #tpu.memory_space<vmem>> -> memref<128x128xf32, #tpu.memory_space<vmem>>
        %gather3A_368 = tpu.vector_load_idx %gather3A_367[%add3A_173, %and3A_363] : memref<128x128xf32, #tpu.memory_space<vmem>>[vector<16xi32>, vector<16xi32>], vector<16xf32>,
        %add3A_369 = arith.constant 15 : i32
        %add3A_370 = vector.broadcast %add3A_369 : i32 to vector<16xi32>
        %add3A_371 = arith.addi %iota3A, %add3A_370 : vector<16xi32>
        %and3A_372 = arith.constant 63 : i32
        %and3A_373 = vector.broadcast %and3A_372 : i32 to vector<16xi32>
        %and3A_374 = arith.andi %add3A_371, %and3A_373 : vector<16xi32>
        %gather3A_375 = arith.constant 0 : i32
        %gather3A_376 = arith.constant 0 : i32
        %gather3A_377 = tpu.memref_slice %arg6[%and3A_91, %gather3A_375, %gather3A_376] : memref<4x128x128xf32, #tpu.memory_space<vmem>> -> memref<1x128x128xf32, #tpu.memory_space<vmem>>
        %gather3A_378 = tpu.memref_squeeze %gather3A_377 : memref<1x128x128xf32, #tpu.memory_space<vmem>> -> memref<128x128xf32, #tpu.memory_space<vmem>>
        %gather3A_379 = tpu.vector_load_idx %gather3A_378[%add3A_173, %and3A_374] : memref<128x128xf32, #tpu.memory_space<vmem>>[vector<16xi32>, vector<16xi32>], vector<16xf32>,
        %scatter3A_380 = arith.constant 0 : i32
        %scatter3A_381 = arith.constant 0 : i32
        %scatter3A_382 = tpu.memref_slice %arg7[%and3A_93, %scatter3A_380, %scatter3A_381] : memref<2x64x128xf32, #tpu.memory_space<vmem>> -> memref<1x64x128xf32, #tpu.memory_space<vmem>>
        %scatter3A_383 = tpu.memref_squeeze %scatter3A_382 : memref<1x64x128xf32, #tpu.memory_space<vmem>> -> memref<64x128xf32, #tpu.memory_space<vmem>>
        tpu.vector_store_idx %scatter3A_383[%and3A_297, %add3A_173], %gather3A_302 : memref<64x128xf32, #tpu.memory_space<vmem>>[vector<16xi32>, vector<16xi32>], vector<16xf32>,
        %scatter3A_384 = arith.constant 0 : i32
        %scatter3A_385 = arith.constant 0 : i32
        %scatter3A_386 = tpu.memref_slice %arg7[%and3A_93, %scatter3A_384, %scatter3A_385] : memref<2x64x128xf32, #tpu.memory_space<vmem>> -> memref<1x64x128xf32, #tpu.memory_space<vmem>>
        %scatter3A_387 = tpu.memref_squeeze %scatter3A_386 : memref<1x64x128xf32, #tpu.memory_space<vmem>> -> memref<64x128xf32, #tpu.memory_space<vmem>>
        tpu.vector_store_idx %scatter3A_387[%and3A_308, %add3A_173], %gather3A_313 : memref<64x128xf32, #tpu.memory_space<vmem>>[vector<16xi32>, vector<16xi32>], vector<16xf32>,
        %scatter3A_388 = arith.constant 0 : i32
        %scatter3A_389 = arith.constant 0 : i32
        %scatter3A_390 = tpu.memref_slice %arg7[%and3A_93, %scatter3A_388, %scatter3A_389] : memref<2x64x128xf32, #tpu.memory_space<vmem>> -> memref<1x64x128xf32, #tpu.memory_space<vmem>>
        %scatter3A_391 = tpu.memref_squeeze %scatter3A_390 : memref<1x64x128xf32, #tpu.memory_space<vmem>> -> memref<64x128xf32, #tpu.memory_space<vmem>>
        tpu.vector_store_idx %scatter3A_391[%and3A_319, %add3A_173], %gather3A_324 : memref<64x128xf32, #tpu.memory_space<vmem>>[vector<16xi32>, vector<16xi32>], vector<16xf32>,
        %scatter3A_392 = arith.constant 0 : i32
        %scatter3A_393 = arith.constant 0 : i32
        %scatter3A_394 = tpu.memref_slice %arg7[%and3A_93, %scatter3A_392, %scatter3A_393] : memref<2x64x128xf32, #tpu.memory_space<vmem>> -> memref<1x64x128xf32, #tpu.memory_space<vmem>>
        %scatter3A_395 = tpu.memref_squeeze %scatter3A_394 : memref<1x64x128xf32, #tpu.memory_space<vmem>> -> memref<64x128xf32, #tpu.memory_space<vmem>>
        tpu.vector_store_idx %scatter3A_395[%and3A_330, %add3A_173], %gather3A_335 : memref<64x128xf32, #tpu.memory_space<vmem>>[vector<16xi32>, vector<16xi32>], vector<16xf32>,
        %scatter3A_396 = arith.constant 0 : i32
        %scatter3A_397 = arith.constant 0 : i32
        %scatter3A_398 = tpu.memref_slice %arg7[%and3A_93, %scatter3A_396, %scatter3A_397] : memref<2x64x128xf32, #tpu.memory_space<vmem>> -> memref<1x64x128xf32, #tpu.memory_space<vmem>>
        %scatter3A_399 = tpu.memref_squeeze %scatter3A_398 : memref<1x64x128xf32, #tpu.memory_space<vmem>> -> memref<64x128xf32, #tpu.memory_space<vmem>>
        tpu.vector_store_idx %scatter3A_399[%and3A_341, %add3A_173], %gather3A_346 : memref<64x128xf32, #tpu.memory_space<vmem>>[vector<16xi32>, vector<16xi32>], vector<16xf32>,
        %scatter3A_400 = arith.constant 0 : i32
        %scatter3A_401 = arith.constant 0 : i32
        %scatter3A_402 = tpu.memref_slice %arg7[%and3A_93, %scatter3A_400, %scatter3A_401] : memref<2x64x128xf32, #tpu.memory_space<vmem>> -> memref<1x64x128xf32, #tpu.memory_space<vmem>>
        %scatter3A_403 = tpu.memref_squeeze %scatter3A_402 : memref<1x64x128xf32, #tpu.memory_space<vmem>> -> memref<64x128xf32, #tpu.memory_space<vmem>>
        tpu.vector_store_idx %scatter3A_403[%and3A_352, %add3A_173], %gather3A_357 : memref<64x128xf32, #tpu.memory_space<vmem>>[vector<16xi32>, vector<16xi32>], vector<16xf32>,
        %scatter3A_404 = arith.constant 0 : i32
        %scatter3A_405 = arith.constant 0 : i32
        %scatter3A_406 = tpu.memref_slice %arg7[%and3A_93, %scatter3A_404, %scatter3A_405] : memref<2x64x128xf32, #tpu.memory_space<vmem>> -> memref<1x64x128xf32, #tpu.memory_space<vmem>>
        %scatter3A_407 = tpu.memref_squeeze %scatter3A_406 : memref<1x64x128xf32, #tpu.memory_space<vmem>> -> memref<64x128xf32, #tpu.memory_space<vmem>>
        tpu.vector_store_idx %scatter3A_407[%and3A_363, %add3A_173], %gather3A_368 : memref<64x128xf32, #tpu.memory_space<vmem>>[vector<16xi32>, vector<16xi32>], vector<16xf32>,
        %scatter3A_408 = arith.constant 0 : i32
        %scatter3A_409 = arith.constant 0 : i32
        %scatter3A_410 = tpu.memref_slice %arg7[%and3A_93, %scatter3A_408, %scatter3A_409] : memref<2x64x128xf32, #tpu.memory_space<vmem>> -> memref<1x64x128xf32, #tpu.memory_space<vmem>>
        %scatter3A_411 = tpu.memref_squeeze %scatter3A_410 : memref<1x64x128xf32, #tpu.memory_space<vmem>> -> memref<64x128xf32, #tpu.memory_space<vmem>>
        tpu.vector_store_idx %scatter3A_411[%and3A_374, %add3A_173], %gather3A_379 : memref<64x128xf32, #tpu.memory_space<vmem>>[vector<16xi32>, vector<16xi32>], vector<16xf32>,
        %add3A_412 = arith.constant 16 : i32
        %add3A_413 = vector.broadcast %add3A_412 : i32 to vector<16xi32>
        %add3A_414 = arith.addi %iota3A, %add3A_413 : vector<16xi32>
        %and3A_415 = arith.constant 63 : i32
        %and3A_416 = vector.broadcast %and3A_415 : i32 to vector<16xi32>
        %and3A_417 = arith.andi %add3A_414, %and3A_416 : vector<16xi32>
        %gather3A_418 = arith.constant 0 : i32
        %gather3A_419 = arith.constant 0 : i32
        %gather3A_420 = tpu.memref_slice %arg6[%and3A_91, %gather3A_418, %gather3A_419] : memref<4x128x128xf32, #tpu.memory_space<vmem>> -> memref<1x128x128xf32, #tpu.memory_space<vmem>>
        %gather3A_421 = tpu.memref_squeeze %gather3A_420 : memref<1x128x128xf32, #tpu.memory_space<vmem>> -> memref<128x128xf32, #tpu.memory_space<vmem>>
        %gather3A_422 = tpu.vector_load_idx %gather3A_421[%add3A_173, %and3A_417] : memref<128x128xf32, #tpu.memory_space<vmem>>[vector<16xi32>, vector<16xi32>], vector<16xf32>,
        %add3A_423 = arith.constant 17 : i32
        %add3A_424 = vector.broadcast %add3A_423 : i32 to vector<16xi32>
        %add3A_425 = arith.addi %iota3A, %add3A_424 : vector<16xi32>
        %and3A_426 = arith.constant 63 : i32
        %and3A_427 = vector.broadcast %and3A_426 : i32 to vector<16xi32>
        %and3A_428 = arith.andi %add3A_425, %and3A_427 : vector<16xi32>
        %gather3A_429 = arith.constant 0 : i32
        %gather3A_430 = arith.constant 0 : i32
        %gather3A_431 = tpu.memref_slice %arg6[%and3A_91, %gather3A_429, %gather3A_430] : memref<4x128x128xf32, #tpu.memory_space<vmem>> -> memref<1x128x128xf32, #tpu.memory_space<vmem>>
        %gather3A_432 = tpu.memref_squeeze %gather3A_431 : memref<1x128x128xf32, #tpu.memory_space<vmem>> -> memref<128x128xf32, #tpu.memory_space<vmem>>
        %gather3A_433 = tpu.vector_load_idx %gather3A_432[%add3A_173, %and3A_428] : memref<128x128xf32, #tpu.memory_space<vmem>>[vector<16xi32>, vector<16xi32>], vector<16xf32>,
        %add3A_434 = arith.constant 18 : i32
        %add3A_435 = vector.broadcast %add3A_434 : i32 to vector<16xi32>
        %add3A_436 = arith.addi %iota3A, %add3A_435 : vector<16xi32>
        %and3A_437 = arith.constant 63 : i32
        %and3A_438 = vector.broadcast %and3A_437 : i32 to vector<16xi32>
        %and3A_439 = arith.andi %add3A_436, %and3A_438 : vector<16xi32>
        %gather3A_440 = arith.constant 0 : i32
        %gather3A_441 = arith.constant 0 : i32
        %gather3A_442 = tpu.memref_slice %arg6[%and3A_91, %gather3A_440, %gather3A_441] : memref<4x128x128xf32, #tpu.memory_space<vmem>> -> memref<1x128x128xf32, #tpu.memory_space<vmem>>
        %gather3A_443 = tpu.memref_squeeze %gather3A_442 : memref<1x128x128xf32, #tpu.memory_space<vmem>> -> memref<128x128xf32, #tpu.memory_space<vmem>>
        %gather3A_444 = tpu.vector_load_idx %gather3A_443[%add3A_173, %and3A_439] : memref<128x128xf32, #tpu.memory_space<vmem>>[vector<16xi32>, vector<16xi32>], vector<16xf32>,
        %add3A_445 = arith.constant 19 : i32
        %add3A_446 = vector.broadcast %add3A_445 : i32 to vector<16xi32>
        %add3A_447 = arith.addi %iota3A, %add3A_446 : vector<16xi32>
        %and3A_448 = arith.constant 63 : i32
        %and3A_449 = vector.broadcast %and3A_448 : i32 to vector<16xi32>
        %and3A_450 = arith.andi %add3A_447, %and3A_449 : vector<16xi32>
        %gather3A_451 = arith.constant 0 : i32
        %gather3A_452 = arith.constant 0 : i32
        %gather3A_453 = tpu.memref_slice %arg6[%and3A_91, %gather3A_451, %gather3A_452] : memref<4x128x128xf32, #tpu.memory_space<vmem>> -> memref<1x128x128xf32, #tpu.memory_space<vmem>>
        %gather3A_454 = tpu.memref_squeeze %gather3A_453 : memref<1x128x128xf32, #tpu.memory_space<vmem>> -> memref<128x128xf32, #tpu.memory_space<vmem>>
        %gather3A_455 = tpu.vector_load_idx %gather3A_454[%add3A_173, %and3A_450] : memref<128x128xf32, #tpu.memory_space<vmem>>[vector<16xi32>, vector<16xi32>], vector<16xf32>,
        %add3A_456 = arith.constant 20 : i32
        %add3A_457 = vector.broadcast %add3A_456 : i32 to vector<16xi32>
        %add3A_458 = arith.addi %iota3A, %add3A_457 : vector<16xi32>
        %and3A_459 = arith.constant 63 : i32
        %and3A_460 = vector.broadcast %and3A_459 : i32 to vector<16xi32>
        %and3A_461 = arith.andi %add3A_458, %and3A_460 : vector<16xi32>
        %gather3A_462 = arith.constant 0 : i32
        %gather3A_463 = arith.constant 0 : i32
        %gather3A_464 = tpu.memref_slice %arg6[%and3A_91, %gather3A_462, %gather3A_463] : memref<4x128x128xf32, #tpu.memory_space<vmem>> -> memref<1x128x128xf32, #tpu.memory_space<vmem>>
        %gather3A_465 = tpu.memref_squeeze %gather3A_464 : memref<1x128x128xf32, #tpu.memory_space<vmem>> -> memref<128x128xf32, #tpu.memory_space<vmem>>
        %gather3A_466 = tpu.vector_load_idx %gather3A_465[%add3A_173, %and3A_461] : memref<128x128xf32, #tpu.memory_space<vmem>>[vector<16xi32>, vector<16xi32>], vector<16xf32>,
        %add3A_467 = arith.constant 21 : i32
        %add3A_468 = vector.broadcast %add3A_467 : i32 to vector<16xi32>
        %add3A_469 = arith.addi %iota3A, %add3A_468 : vector<16xi32>
        %and3A_470 = arith.constant 63 : i32
        %and3A_471 = vector.broadcast %and3A_470 : i32 to vector<16xi32>
        %and3A_472 = arith.andi %add3A_469, %and3A_471 : vector<16xi32>
        %gather3A_473 = arith.constant 0 : i32
        %gather3A_474 = arith.constant 0 : i32
        %gather3A_475 = tpu.memref_slice %arg6[%and3A_91, %gather3A_473, %gather3A_474] : memref<4x128x128xf32, #tpu.memory_space<vmem>> -> memref<1x128x128xf32, #tpu.memory_space<vmem>>
        %gather3A_476 = tpu.memref_squeeze %gather3A_475 : memref<1x128x128xf32, #tpu.memory_space<vmem>> -> memref<128x128xf32, #tpu.memory_space<vmem>>
        %gather3A_477 = tpu.vector_load_idx %gather3A_476[%add3A_173, %and3A_472] : memref<128x128xf32, #tpu.memory_space<vmem>>[vector<16xi32>, vector<16xi32>], vector<16xf32>,
        %add3A_478 = arith.constant 22 : i32
        %add3A_479 = vector.broadcast %add3A_478 : i32 to vector<16xi32>
        %add3A_480 = arith.addi %iota3A, %add3A_479 : vector<16xi32>
        %and3A_481 = arith.constant 63 : i32
        %and3A_482 = vector.broadcast %and3A_481 : i32 to vector<16xi32>
        %and3A_483 = arith.andi %add3A_480, %and3A_482 : vector<16xi32>
        %gather3A_484 = arith.constant 0 : i32
        %gather3A_485 = arith.constant 0 : i32
        %gather3A_486 = tpu.memref_slice %arg6[%and3A_91, %gather3A_484, %gather3A_485] : memref<4x128x128xf32, #tpu.memory_space<vmem>> -> memref<1x128x128xf32, #tpu.memory_space<vmem>>
        %gather3A_487 = tpu.memref_squeeze %gather3A_486 : memref<1x128x128xf32, #tpu.memory_space<vmem>> -> memref<128x128xf32, #tpu.memory_space<vmem>>
        %gather3A_488 = tpu.vector_load_idx %gather3A_487[%add3A_173, %and3A_483] : memref<128x128xf32, #tpu.memory_space<vmem>>[vector<16xi32>, vector<16xi32>], vector<16xf32>,
        %add3A_489 = arith.constant 23 : i32
        %add3A_490 = vector.broadcast %add3A_489 : i32 to vector<16xi32>
        %add3A_491 = arith.addi %iota3A, %add3A_490 : vector<16xi32>
        %and3A_492 = arith.constant 63 : i32
        %and3A_493 = vector.broadcast %and3A_492 : i32 to vector<16xi32>
        %and3A_494 = arith.andi %add3A_491, %and3A_493 : vector<16xi32>
        %gather3A_495 = arith.constant 0 : i32
        %gather3A_496 = arith.constant 0 : i32
        %gather3A_497 = tpu.memref_slice %arg6[%and3A_91, %gather3A_495, %gather3A_496] : memref<4x128x128xf32, #tpu.memory_space<vmem>> -> memref<1x128x128xf32, #tpu.memory_space<vmem>>
        %gather3A_498 = tpu.memref_squeeze %gather3A_497 : memref<1x128x128xf32, #tpu.memory_space<vmem>> -> memref<128x128xf32, #tpu.memory_space<vmem>>
        %gather3A_499 = tpu.vector_load_idx %gather3A_498[%add3A_173, %and3A_494] : memref<128x128xf32, #tpu.memory_space<vmem>>[vector<16xi32>, vector<16xi32>], vector<16xf32>,
        %scatter3A_500 = arith.constant 0 : i32
        %scatter3A_501 = arith.constant 0 : i32
        %scatter3A_502 = tpu.memref_slice %arg7[%and3A_93, %scatter3A_500, %scatter3A_501] : memref<2x64x128xf32, #tpu.memory_space<vmem>> -> memref<1x64x128xf32, #tpu.memory_space<vmem>>
        %scatter3A_503 = tpu.memref_squeeze %scatter3A_502 : memref<1x64x128xf32, #tpu.memory_space<vmem>> -> memref<64x128xf32, #tpu.memory_space<vmem>>
        tpu.vector_store_idx %scatter3A_503[%and3A_417, %add3A_173], %gather3A_422 : memref<64x128xf32, #tpu.memory_space<vmem>>[vector<16xi32>, vector<16xi32>], vector<16xf32>,
        %scatter3A_504 = arith.constant 0 : i32
        %scatter3A_505 = arith.constant 0 : i32
        %scatter3A_506 = tpu.memref_slice %arg7[%and3A_93, %scatter3A_504, %scatter3A_505] : memref<2x64x128xf32, #tpu.memory_space<vmem>> -> memref<1x64x128xf32, #tpu.memory_space<vmem>>
        %scatter3A_507 = tpu.memref_squeeze %scatter3A_506 : memref<1x64x128xf32, #tpu.memory_space<vmem>> -> memref<64x128xf32, #tpu.memory_space<vmem>>
        tpu.vector_store_idx %scatter3A_507[%and3A_428, %add3A_173], %gather3A_433 : memref<64x128xf32, #tpu.memory_space<vmem>>[vector<16xi32>, vector<16xi32>], vector<16xf32>,
        %scatter3A_508 = arith.constant 0 : i32
        %scatter3A_509 = arith.constant 0 : i32
        %scatter3A_510 = tpu.memref_slice %arg7[%and3A_93, %scatter3A_508, %scatter3A_509] : memref<2x64x128xf32, #tpu.memory_space<vmem>> -> memref<1x64x128xf32, #tpu.memory_space<vmem>>
        %scatter3A_511 = tpu.memref_squeeze %scatter3A_510 : memref<1x64x128xf32, #tpu.memory_space<vmem>> -> memref<64x128xf32, #tpu.memory_space<vmem>>
        tpu.vector_store_idx %scatter3A_511[%and3A_439, %add3A_173], %gather3A_444 : memref<64x128xf32, #tpu.memory_space<vmem>>[vector<16xi32>, vector<16xi32>], vector<16xf32>,
        %scatter3A_512 = arith.constant 0 : i32
        %scatter3A_513 = arith.constant 0 : i32
        %scatter3A_514 = tpu.memref_slice %arg7[%and3A_93, %scatter3A_512, %scatter3A_513] : memref<2x64x128xf32, #tpu.memory_space<vmem>> -> memref<1x64x128xf32, #tpu.memory_space<vmem>>
        %scatter3A_515 = tpu.memref_squeeze %scatter3A_514 : memref<1x64x128xf32, #tpu.memory_space<vmem>> -> memref<64x128xf32, #tpu.memory_space<vmem>>
        tpu.vector_store_idx %scatter3A_515[%and3A_450, %add3A_173], %gather3A_455 : memref<64x128xf32, #tpu.memory_space<vmem>>[vector<16xi32>, vector<16xi32>], vector<16xf32>,
        %scatter3A_516 = arith.constant 0 : i32
        %scatter3A_517 = arith.constant 0 : i32
        %scatter3A_518 = tpu.memref_slice %arg7[%and3A_93, %scatter3A_516, %scatter3A_517] : memref<2x64x128xf32, #tpu.memory_space<vmem>> -> memref<1x64x128xf32, #tpu.memory_space<vmem>>
        %scatter3A_519 = tpu.memref_squeeze %scatter3A_518 : memref<1x64x128xf32, #tpu.memory_space<vmem>> -> memref<64x128xf32, #tpu.memory_space<vmem>>
        tpu.vector_store_idx %scatter3A_519[%and3A_461, %add3A_173], %gather3A_466 : memref<64x128xf32, #tpu.memory_space<vmem>>[vector<16xi32>, vector<16xi32>], vector<16xf32>,
        %scatter3A_520 = arith.constant 0 : i32
        %scatter3A_521 = arith.constant 0 : i32
        %scatter3A_522 = tpu.memref_slice %arg7[%and3A_93, %scatter3A_520, %scatter3A_521] : memref<2x64x128xf32, #tpu.memory_space<vmem>> -> memref<1x64x128xf32, #tpu.memory_space<vmem>>
        %scatter3A_523 = tpu.memref_squeeze %scatter3A_522 : memref<1x64x128xf32, #tpu.memory_space<vmem>> -> memref<64x128xf32, #tpu.memory_space<vmem>>
        tpu.vector_store_idx %scatter3A_523[%and3A_472, %add3A_173], %gather3A_477 : memref<64x128xf32, #tpu.memory_space<vmem>>[vector<16xi32>, vector<16xi32>], vector<16xf32>,
        %scatter3A_524 = arith.constant 0 : i32
        %scatter3A_525 = arith.constant 0 : i32
        %scatter3A_526 = tpu.memref_slice %arg7[%and3A_93, %scatter3A_524, %scatter3A_525] : memref<2x64x128xf32, #tpu.memory_space<vmem>> -> memref<1x64x128xf32, #tpu.memory_space<vmem>>
        %scatter3A_527 = tpu.memref_squeeze %scatter3A_526 : memref<1x64x128xf32, #tpu.memory_space<vmem>> -> memref<64x128xf32, #tpu.memory_space<vmem>>
        tpu.vector_store_idx %scatter3A_527[%and3A_483, %add3A_173], %gather3A_488 : memref<64x128xf32, #tpu.memory_space<vmem>>[vector<16xi32>, vector<16xi32>], vector<16xf32>,
        %scatter3A_528 = arith.constant 0 : i32
        %scatter3A_529 = arith.constant 0 : i32
        %scatter3A_530 = tpu.memref_slice %arg7[%and3A_93, %scatter3A_528, %scatter3A_529] : memref<2x64x128xf32, #tpu.memory_space<vmem>> -> memref<1x64x128xf32, #tpu.memory_space<vmem>>
        %scatter3A_531 = tpu.memref_squeeze %scatter3A_530 : memref<1x64x128xf32, #tpu.memory_space<vmem>> -> memref<64x128xf32, #tpu.memory_space<vmem>>
        tpu.vector_store_idx %scatter3A_531[%and3A_494, %add3A_173], %gather3A_499 : memref<64x128xf32, #tpu.memory_space<vmem>>[vector<16xi32>, vector<16xi32>], vector<16xf32>,
        %add3A_532 = arith.constant 24 : i32
        %add3A_533 = vector.broadcast %add3A_532 : i32 to vector<16xi32>
        %add3A_534 = arith.addi %iota3A, %add3A_533 : vector<16xi32>
        %and3A_535 = arith.constant 63 : i32
        %and3A_536 = vector.broadcast %and3A_535 : i32 to vector<16xi32>
        %and3A_537 = arith.andi %add3A_534, %and3A_536 : vector<16xi32>
        %gather3A_538 = arith.constant 0 : i32
        %gather3A_539 = arith.constant 0 : i32
        %gather3A_540 = tpu.memref_slice %arg6[%and3A_91, %gather3A_538, %gather3A_539] : memref<4x128x128xf32, #tpu.memory_space<vmem>> -> memref<1x128x128xf32, #tpu.memory_space<vmem>>
        %gather3A_541 = tpu.memref_squeeze %gather3A_540 : memref<1x128x128xf32, #tpu.memory_space<vmem>> -> memref<128x128xf32, #tpu.memory_space<vmem>>
        %gather3A_542 = tpu.vector_load_idx %gather3A_541[%add3A_173, %and3A_537] : memref<128x128xf32, #tpu.memory_space<vmem>>[vector<16xi32>, vector<16xi32>], vector<16xf32>,
        %add3A_543 = arith.constant 25 : i32
        %add3A_544 = vector.broadcast %add3A_543 : i32 to vector<16xi32>
        %add3A_545 = arith.addi %iota3A, %add3A_544 : vector<16xi32>
        %and3A_546 = arith.constant 63 : i32
        %and3A_547 = vector.broadcast %and3A_546 : i32 to vector<16xi32>
        %and3A_548 = arith.andi %add3A_545, %and3A_547 : vector<16xi32>
        %gather3A_549 = arith.constant 0 : i32
        %gather3A_550 = arith.constant 0 : i32
        %gather3A_551 = tpu.memref_slice %arg6[%and3A_91, %gather3A_549, %gather3A_550] : memref<4x128x128xf32, #tpu.memory_space<vmem>> -> memref<1x128x128xf32, #tpu.memory_space<vmem>>
        %gather3A_552 = tpu.memref_squeeze %gather3A_551 : memref<1x128x128xf32, #tpu.memory_space<vmem>> -> memref<128x128xf32, #tpu.memory_space<vmem>>
        %gather3A_553 = tpu.vector_load_idx %gather3A_552[%add3A_173, %and3A_548] : memref<128x128xf32, #tpu.memory_space<vmem>>[vector<16xi32>, vector<16xi32>], vector<16xf32>,
        %add3A_554 = arith.constant 26 : i32
        %add3A_555 = vector.broadcast %add3A_554 : i32 to vector<16xi32>
        %add3A_556 = arith.addi %iota3A, %add3A_555 : vector<16xi32>
        %and3A_557 = arith.constant 63 : i32
        %and3A_558 = vector.broadcast %and3A_557 : i32 to vector<16xi32>
        %and3A_559 = arith.andi %add3A_556, %and3A_558 : vector<16xi32>
        %gather3A_560 = arith.constant 0 : i32
        %gather3A_561 = arith.constant 0 : i32
        %gather3A_562 = tpu.memref_slice %arg6[%and3A_91, %gather3A_560, %gather3A_561] : memref<4x128x128xf32, #tpu.memory_space<vmem>> -> memref<1x128x128xf32, #tpu.memory_space<vmem>>
        %gather3A_563 = tpu.memref_squeeze %gather3A_562 : memref<1x128x128xf32, #tpu.memory_space<vmem>> -> memref<128x128xf32, #tpu.memory_space<vmem>>
        %gather3A_564 = tpu.vector_load_idx %gather3A_563[%add3A_173, %and3A_559] : memref<128x128xf32, #tpu.memory_space<vmem>>[vector<16xi32>, vector<16xi32>], vector<16xf32>,
        %add3A_565 = arith.constant 27 : i32
        %add3A_566 = vector.broadcast %add3A_565 : i32 to vector<16xi32>
        %add3A_567 = arith.addi %iota3A, %add3A_566 : vector<16xi32>
        %and3A_568 = arith.constant 63 : i32
        %and3A_569 = vector.broadcast %and3A_568 : i32 to vector<16xi32>
        %and3A_570 = arith.andi %add3A_567, %and3A_569 : vector<16xi32>
        %gather3A_571 = arith.constant 0 : i32
        %gather3A_572 = arith.constant 0 : i32
        %gather3A_573 = tpu.memref_slice %arg6[%and3A_91, %gather3A_571, %gather3A_572] : memref<4x128x128xf32, #tpu.memory_space<vmem>> -> memref<1x128x128xf32, #tpu.memory_space<vmem>>
        %gather3A_574 = tpu.memref_squeeze %gather3A_573 : memref<1x128x128xf32, #tpu.memory_space<vmem>> -> memref<128x128xf32, #tpu.memory_space<vmem>>
        %gather3A_575 = tpu.vector_load_idx %gather3A_574[%add3A_173, %and3A_570] : memref<128x128xf32, #tpu.memory_space<vmem>>[vector<16xi32>, vector<16xi32>], vector<16xf32>,
        %add3A_576 = arith.constant 28 : i32
        %add3A_577 = vector.broadcast %add3A_576 : i32 to vector<16xi32>
        %add3A_578 = arith.addi %iota3A, %add3A_577 : vector<16xi32>
        %and3A_579 = arith.constant 63 : i32
        %and3A_580 = vector.broadcast %and3A_579 : i32 to vector<16xi32>
        %and3A_581 = arith.andi %add3A_578, %and3A_580 : vector<16xi32>
        %gather3A_582 = arith.constant 0 : i32
        %gather3A_583 = arith.constant 0 : i32
        %gather3A_584 = tpu.memref_slice %arg6[%and3A_91, %gather3A_582, %gather3A_583] : memref<4x128x128xf32, #tpu.memory_space<vmem>> -> memref<1x128x128xf32, #tpu.memory_space<vmem>>
        %gather3A_585 = tpu.memref_squeeze %gather3A_584 : memref<1x128x128xf32, #tpu.memory_space<vmem>> -> memref<128x128xf32, #tpu.memory_space<vmem>>
        %gather3A_586 = tpu.vector_load_idx %gather3A_585[%add3A_173, %and3A_581] : memref<128x128xf32, #tpu.memory_space<vmem>>[vector<16xi32>, vector<16xi32>], vector<16xf32>,
        %add3A_587 = arith.constant 29 : i32
        %add3A_588 = vector.broadcast %add3A_587 : i32 to vector<16xi32>
        %add3A_589 = arith.addi %iota3A, %add3A_588 : vector<16xi32>
        %and3A_590 = arith.constant 63 : i32
        %and3A_591 = vector.broadcast %and3A_590 : i32 to vector<16xi32>
        %and3A_592 = arith.andi %add3A_589, %and3A_591 : vector<16xi32>
        %gather3A_593 = arith.constant 0 : i32
        %gather3A_594 = arith.constant 0 : i32
        %gather3A_595 = tpu.memref_slice %arg6[%and3A_91, %gather3A_593, %gather3A_594] : memref<4x128x128xf32, #tpu.memory_space<vmem>> -> memref<1x128x128xf32, #tpu.memory_space<vmem>>
        %gather3A_596 = tpu.memref_squeeze %gather3A_595 : memref<1x128x128xf32, #tpu.memory_space<vmem>> -> memref<128x128xf32, #tpu.memory_space<vmem>>
        %gather3A_597 = tpu.vector_load_idx %gather3A_596[%add3A_173, %and3A_592] : memref<128x128xf32, #tpu.memory_space<vmem>>[vector<16xi32>, vector<16xi32>], vector<16xf32>,
        %add3A_598 = arith.constant 30 : i32
        %add3A_599 = vector.broadcast %add3A_598 : i32 to vector<16xi32>
        %add3A_600 = arith.addi %iota3A, %add3A_599 : vector<16xi32>
        %and3A_601 = arith.constant 63 : i32
        %and3A_602 = vector.broadcast %and3A_601 : i32 to vector<16xi32>
        %and3A_603 = arith.andi %add3A_600, %and3A_602 : vector<16xi32>
        %gather3A_604 = arith.constant 0 : i32
        %gather3A_605 = arith.constant 0 : i32
        %gather3A_606 = tpu.memref_slice %arg6[%and3A_91, %gather3A_604, %gather3A_605] : memref<4x128x128xf32, #tpu.memory_space<vmem>> -> memref<1x128x128xf32, #tpu.memory_space<vmem>>
        %gather3A_607 = tpu.memref_squeeze %gather3A_606 : memref<1x128x128xf32, #tpu.memory_space<vmem>> -> memref<128x128xf32, #tpu.memory_space<vmem>>
        %gather3A_608 = tpu.vector_load_idx %gather3A_607[%add3A_173, %and3A_603] : memref<128x128xf32, #tpu.memory_space<vmem>>[vector<16xi32>, vector<16xi32>], vector<16xf32>,
        %add3A_609 = arith.constant 31 : i32
        %add3A_610 = vector.broadcast %add3A_609 : i32 to vector<16xi32>
        %add3A_611 = arith.addi %iota3A, %add3A_610 : vector<16xi32>
        %and3A_612 = arith.constant 63 : i32
        %and3A_613 = vector.broadcast %and3A_612 : i32 to vector<16xi32>
        %and3A_614 = arith.andi %add3A_611, %and3A_613 : vector<16xi32>
        %gather3A_615 = arith.constant 0 : i32
        %gather3A_616 = arith.constant 0 : i32
        %gather3A_617 = tpu.memref_slice %arg6[%and3A_91, %gather3A_615, %gather3A_616] : memref<4x128x128xf32, #tpu.memory_space<vmem>> -> memref<1x128x128xf32, #tpu.memory_space<vmem>>
        %gather3A_618 = tpu.memref_squeeze %gather3A_617 : memref<1x128x128xf32, #tpu.memory_space<vmem>> -> memref<128x128xf32, #tpu.memory_space<vmem>>
        %gather3A_619 = tpu.vector_load_idx %gather3A_618[%add3A_173, %and3A_614] : memref<128x128xf32, #tpu.memory_space<vmem>>[vector<16xi32>, vector<16xi32>], vector<16xf32>,
        %scatter3A_620 = arith.constant 0 : i32
        %scatter3A_621 = arith.constant 0 : i32
        %scatter3A_622 = tpu.memref_slice %arg7[%and3A_93, %scatter3A_620, %scatter3A_621] : memref<2x64x128xf32, #tpu.memory_space<vmem>> -> memref<1x64x128xf32, #tpu.memory_space<vmem>>
        %scatter3A_623 = tpu.memref_squeeze %scatter3A_622 : memref<1x64x128xf32, #tpu.memory_space<vmem>> -> memref<64x128xf32, #tpu.memory_space<vmem>>
        tpu.vector_store_idx %scatter3A_623[%and3A_537, %add3A_173], %gather3A_542 : memref<64x128xf32, #tpu.memory_space<vmem>>[vector<16xi32>, vector<16xi32>], vector<16xf32>,
        %scatter3A_624 = arith.constant 0 : i32
        %scatter3A_625 = arith.constant 0 : i32
        %scatter3A_626 = tpu.memref_slice %arg7[%and3A_93, %scatter3A_624, %scatter3A_625] : memref<2x64x128xf32, #tpu.memory_space<vmem>> -> memref<1x64x128xf32, #tpu.memory_space<vmem>>
        %scatter3A_627 = tpu.memref_squeeze %scatter3A_626 : memref<1x64x128xf32, #tpu.memory_space<vmem>> -> memref<64x128xf32, #tpu.memory_space<vmem>>
        tpu.vector_store_idx %scatter3A_627[%and3A_548, %add3A_173], %gather3A_553 : memref<64x128xf32, #tpu.memory_space<vmem>>[vector<16xi32>, vector<16xi32>], vector<16xf32>,
        %scatter3A_628 = arith.constant 0 : i32
        %scatter3A_629 = arith.constant 0 : i32
        %scatter3A_630 = tpu.memref_slice %arg7[%and3A_93, %scatter3A_628, %scatter3A_629] : memref<2x64x128xf32, #tpu.memory_space<vmem>> -> memref<1x64x128xf32, #tpu.memory_space<vmem>>
        %scatter3A_631 = tpu.memref_squeeze %scatter3A_630 : memref<1x64x128xf32, #tpu.memory_space<vmem>> -> memref<64x128xf32, #tpu.memory_space<vmem>>
        tpu.vector_store_idx %scatter3A_631[%and3A_559, %add3A_173], %gather3A_564 : memref<64x128xf32, #tpu.memory_space<vmem>>[vector<16xi32>, vector<16xi32>], vector<16xf32>,
        %scatter3A_632 = arith.constant 0 : i32
        %scatter3A_633 = arith.constant 0 : i32
        %scatter3A_634 = tpu.memref_slice %arg7[%and3A_93, %scatter3A_632, %scatter3A_633] : memref<2x64x128xf32, #tpu.memory_space<vmem>> -> memref<1x64x128xf32, #tpu.memory_space<vmem>>
        %scatter3A_635 = tpu.memref_squeeze %scatter3A_634 : memref<1x64x128xf32, #tpu.memory_space<vmem>> -> memref<64x128xf32, #tpu.memory_space<vmem>>
        tpu.vector_store_idx %scatter3A_635[%and3A_570, %add3A_173], %gather3A_575 : memref<64x128xf32, #tpu.memory_space<vmem>>[vector<16xi32>, vector<16xi32>], vector<16xf32>,
        %scatter3A_636 = arith.constant 0 : i32
        %scatter3A_637 = arith.constant 0 : i32
        %scatter3A_638 = tpu.memref_slice %arg7[%and3A_93, %scatter3A_636, %scatter3A_637] : memref<2x64x128xf32, #tpu.memory_space<vmem>> -> memref<1x64x128xf32, #tpu.memory_space<vmem>>
        %scatter3A_639 = tpu.memref_squeeze %scatter3A_638 : memref<1x64x128xf32, #tpu.memory_space<vmem>> -> memref<64x128xf32, #tpu.memory_space<vmem>>
        tpu.vector_store_idx %scatter3A_639[%and3A_581, %add3A_173], %gather3A_586 : memref<64x128xf32, #tpu.memory_space<vmem>>[vector<16xi32>, vector<16xi32>], vector<16xf32>,
        %scatter3A_640 = arith.constant 0 : i32
        %scatter3A_641 = arith.constant 0 : i32
        %scatter3A_642 = tpu.memref_slice %arg7[%and3A_93, %scatter3A_640, %scatter3A_641] : memref<2x64x128xf32, #tpu.memory_space<vmem>> -> memref<1x64x128xf32, #tpu.memory_space<vmem>>
        %scatter3A_643 = tpu.memref_squeeze %scatter3A_642 : memref<1x64x128xf32, #tpu.memory_space<vmem>> -> memref<64x128xf32, #tpu.memory_space<vmem>>
        tpu.vector_store_idx %scatter3A_643[%and3A_592, %add3A_173], %gather3A_597 : memref<64x128xf32, #tpu.memory_space<vmem>>[vector<16xi32>, vector<16xi32>], vector<16xf32>,
        %scatter3A_644 = arith.constant 0 : i32
        %scatter3A_645 = arith.constant 0 : i32
        %scatter3A_646 = tpu.memref_slice %arg7[%and3A_93, %scatter3A_644, %scatter3A_645] : memref<2x64x128xf32, #tpu.memory_space<vmem>> -> memref<1x64x128xf32, #tpu.memory_space<vmem>>
        %scatter3A_647 = tpu.memref_squeeze %scatter3A_646 : memref<1x64x128xf32, #tpu.memory_space<vmem>> -> memref<64x128xf32, #tpu.memory_space<vmem>>
        tpu.vector_store_idx %scatter3A_647[%and3A_603, %add3A_173], %gather3A_608 : memref<64x128xf32, #tpu.memory_space<vmem>>[vector<16xi32>, vector<16xi32>], vector<16xf32>,
        %scatter3A_648 = arith.constant 0 : i32
        %scatter3A_649 = arith.constant 0 : i32
        %scatter3A_650 = tpu.memref_slice %arg7[%and3A_93, %scatter3A_648, %scatter3A_649] : memref<2x64x128xf32, #tpu.memory_space<vmem>> -> memref<1x64x128xf32, #tpu.memory_space<vmem>>
        %scatter3A_651 = tpu.memref_squeeze %scatter3A_650 : memref<1x64x128xf32, #tpu.memory_space<vmem>> -> memref<64x128xf32, #tpu.memory_space<vmem>>
        tpu.vector_store_idx %scatter3A_651[%and3A_614, %add3A_173], %gather3A_619 : memref<64x128xf32, #tpu.memory_space<vmem>>[vector<16xi32>, vector<16xi32>], vector<16xf32>,
        %add3A_652 = arith.constant 32 : i32
        %add3A_653 = vector.broadcast %add3A_652 : i32 to vector<16xi32>
        %add3A_654 = arith.addi %iota3A, %add3A_653 : vector<16xi32>
        %and3A_655 = arith.constant 63 : i32
        %and3A_656 = vector.broadcast %and3A_655 : i32 to vector<16xi32>
        %and3A_657 = arith.andi %add3A_654, %and3A_656 : vector<16xi32>
        %gather3A_658 = arith.constant 0 : i32
        %gather3A_659 = arith.constant 0 : i32
        %gather3A_660 = tpu.memref_slice %arg6[%and3A_91, %gather3A_658, %gather3A_659] : memref<4x128x128xf32, #tpu.memory_space<vmem>> -> memref<1x128x128xf32, #tpu.memory_space<vmem>>
        %gather3A_661 = tpu.memref_squeeze %gather3A_660 : memref<1x128x128xf32, #tpu.memory_space<vmem>> -> memref<128x128xf32, #tpu.memory_space<vmem>>
        %gather3A_662 = tpu.vector_load_idx %gather3A_661[%add3A_173, %and3A_657] : memref<128x128xf32, #tpu.memory_space<vmem>>[vector<16xi32>, vector<16xi32>], vector<16xf32>,
        %add3A_663 = arith.constant 33 : i32
        %add3A_664 = vector.broadcast %add3A_663 : i32 to vector<16xi32>
        %add3A_665 = arith.addi %iota3A, %add3A_664 : vector<16xi32>
        %and3A_666 = arith.constant 63 : i32
        %and3A_667 = vector.broadcast %and3A_666 : i32 to vector<16xi32>
        %and3A_668 = arith.andi %add3A_665, %and3A_667 : vector<16xi32>
        %gather3A_669 = arith.constant 0 : i32
        %gather3A_670 = arith.constant 0 : i32
        %gather3A_671 = tpu.memref_slice %arg6[%and3A_91, %gather3A_669, %gather3A_670] : memref<4x128x128xf32, #tpu.memory_space<vmem>> -> memref<1x128x128xf32, #tpu.memory_space<vmem>>
        %gather3A_672 = tpu.memref_squeeze %gather3A_671 : memref<1x128x128xf32, #tpu.memory_space<vmem>> -> memref<128x128xf32, #tpu.memory_space<vmem>>
        %gather3A_673 = tpu.vector_load_idx %gather3A_672[%add3A_173, %and3A_668] : memref<128x128xf32, #tpu.memory_space<vmem>>[vector<16xi32>, vector<16xi32>], vector<16xf32>,
        %add3A_674 = arith.constant 34 : i32
        %add3A_675 = vector.broadcast %add3A_674 : i32 to vector<16xi32>
        %add3A_676 = arith.addi %iota3A, %add3A_675 : vector<16xi32>
        %and3A_677 = arith.constant 63 : i32
        %and3A_678 = vector.broadcast %and3A_677 : i32 to vector<16xi32>
        %and3A_679 = arith.andi %add3A_676, %and3A_678 : vector<16xi32>
        %gather3A_680 = arith.constant 0 : i32
        %gather3A_681 = arith.constant 0 : i32
        %gather3A_682 = tpu.memref_slice %arg6[%and3A_91, %gather3A_680, %gather3A_681] : memref<4x128x128xf32, #tpu.memory_space<vmem>> -> memref<1x128x128xf32, #tpu.memory_space<vmem>>
        %gather3A_683 = tpu.memref_squeeze %gather3A_682 : memref<1x128x128xf32, #tpu.memory_space<vmem>> -> memref<128x128xf32, #tpu.memory_space<vmem>>
        %gather3A_684 = tpu.vector_load_idx %gather3A_683[%add3A_173, %and3A_679] : memref<128x128xf32, #tpu.memory_space<vmem>>[vector<16xi32>, vector<16xi32>], vector<16xf32>,
        %add3A_685 = arith.constant 35 : i32
        %add3A_686 = vector.broadcast %add3A_685 : i32 to vector<16xi32>
        %add3A_687 = arith.addi %iota3A, %add3A_686 : vector<16xi32>
        %and3A_688 = arith.constant 63 : i32
        %and3A_689 = vector.broadcast %and3A_688 : i32 to vector<16xi32>
        %and3A_690 = arith.andi %add3A_687, %and3A_689 : vector<16xi32>
        %gather3A_691 = arith.constant 0 : i32
        %gather3A_692 = arith.constant 0 : i32
        %gather3A_693 = tpu.memref_slice %arg6[%and3A_91, %gather3A_691, %gather3A_692] : memref<4x128x128xf32, #tpu.memory_space<vmem>> -> memref<1x128x128xf32, #tpu.memory_space<vmem>>
        %gather3A_694 = tpu.memref_squeeze %gather3A_693 : memref<1x128x128xf32, #tpu.memory_space<vmem>> -> memref<128x128xf32, #tpu.memory_space<vmem>>
        %gather3A_695 = tpu.vector_load_idx %gather3A_694[%add3A_173, %and3A_690] : memref<128x128xf32, #tpu.memory_space<vmem>>[vector<16xi32>, vector<16xi32>], vector<16xf32>,
        %add3A_696 = arith.constant 36 : i32
        %add3A_697 = vector.broadcast %add3A_696 : i32 to vector<16xi32>
        %add3A_698 = arith.addi %iota3A, %add3A_697 : vector<16xi32>
        %and3A_699 = arith.constant 63 : i32
        %and3A_700 = vector.broadcast %and3A_699 : i32 to vector<16xi32>
        %and3A_701 = arith.andi %add3A_698, %and3A_700 : vector<16xi32>
        %gather3A_702 = arith.constant 0 : i32
        %gather3A_703 = arith.constant 0 : i32
        %gather3A_704 = tpu.memref_slice %arg6[%and3A_91, %gather3A_702, %gather3A_703] : memref<4x128x128xf32, #tpu.memory_space<vmem>> -> memref<1x128x128xf32, #tpu.memory_space<vmem>>
        %gather3A_705 = tpu.memref_squeeze %gather3A_704 : memref<1x128x128xf32, #tpu.memory_space<vmem>> -> memref<128x128xf32, #tpu.memory_space<vmem>>
        %gather3A_706 = tpu.vector_load_idx %gather3A_705[%add3A_173, %and3A_701] : memref<128x128xf32, #tpu.memory_space<vmem>>[vector<16xi32>, vector<16xi32>], vector<16xf32>,
        %add3A_707 = arith.constant 37 : i32
        %add3A_708 = vector.broadcast %add3A_707 : i32 to vector<16xi32>
        %add3A_709 = arith.addi %iota3A, %add3A_708 : vector<16xi32>
        %and3A_710 = arith.constant 63 : i32
        %and3A_711 = vector.broadcast %and3A_710 : i32 to vector<16xi32>
        %and3A_712 = arith.andi %add3A_709, %and3A_711 : vector<16xi32>
        %gather3A_713 = arith.constant 0 : i32
        %gather3A_714 = arith.constant 0 : i32
        %gather3A_715 = tpu.memref_slice %arg6[%and3A_91, %gather3A_713, %gather3A_714] : memref<4x128x128xf32, #tpu.memory_space<vmem>> -> memref<1x128x128xf32, #tpu.memory_space<vmem>>
        %gather3A_716 = tpu.memref_squeeze %gather3A_715 : memref<1x128x128xf32, #tpu.memory_space<vmem>> -> memref<128x128xf32, #tpu.memory_space<vmem>>
        %gather3A_717 = tpu.vector_load_idx %gather3A_716[%add3A_173, %and3A_712] : memref<128x128xf32, #tpu.memory_space<vmem>>[vector<16xi32>, vector<16xi32>], vector<16xf32>,
        %add3A_718 = arith.constant 38 : i32
        %add3A_719 = vector.broadcast %add3A_718 : i32 to vector<16xi32>
        %add3A_720 = arith.addi %iota3A, %add3A_719 : vector<16xi32>
        %and3A_721 = arith.constant 63 : i32
        %and3A_722 = vector.broadcast %and3A_721 : i32 to vector<16xi32>
        %and3A_723 = arith.andi %add3A_720, %and3A_722 : vector<16xi32>
        %gather3A_724 = arith.constant 0 : i32
        %gather3A_725 = arith.constant 0 : i32
        %gather3A_726 = tpu.memref_slice %arg6[%and3A_91, %gather3A_724, %gather3A_725] : memref<4x128x128xf32, #tpu.memory_space<vmem>> -> memref<1x128x128xf32, #tpu.memory_space<vmem>>
        %gather3A_727 = tpu.memref_squeeze %gather3A_726 : memref<1x128x128xf32, #tpu.memory_space<vmem>> -> memref<128x128xf32, #tpu.memory_space<vmem>>
        %gather3A_728 = tpu.vector_load_idx %gather3A_727[%add3A_173, %and3A_723] : memref<128x128xf32, #tpu.memory_space<vmem>>[vector<16xi32>, vector<16xi32>], vector<16xf32>,
        %add3A_729 = arith.constant 39 : i32
        %add3A_730 = vector.broadcast %add3A_729 : i32 to vector<16xi32>
        %add3A_731 = arith.addi %iota3A, %add3A_730 : vector<16xi32>
        %and3A_732 = arith.constant 63 : i32
        %and3A_733 = vector.broadcast %and3A_732 : i32 to vector<16xi32>
        %and3A_734 = arith.andi %add3A_731, %and3A_733 : vector<16xi32>
        %gather3A_735 = arith.constant 0 : i32
        %gather3A_736 = arith.constant 0 : i32
        %gather3A_737 = tpu.memref_slice %arg6[%and3A_91, %gather3A_735, %gather3A_736] : memref<4x128x128xf32, #tpu.memory_space<vmem>> -> memref<1x128x128xf32, #tpu.memory_space<vmem>>
        %gather3A_738 = tpu.memref_squeeze %gather3A_737 : memref<1x128x128xf32, #tpu.memory_space<vmem>> -> memref<128x128xf32, #tpu.memory_space<vmem>>
        %gather3A_739 = tpu.vector_load_idx %gather3A_738[%add3A_173, %and3A_734] : memref<128x128xf32, #tpu.memory_space<vmem>>[vector<16xi32>, vector<16xi32>], vector<16xf32>,
        %scatter3A_740 = arith.constant 0 : i32
        %scatter3A_741 = arith.constant 0 : i32
        %scatter3A_742 = tpu.memref_slice %arg7[%and3A_93, %scatter3A_740, %scatter3A_741] : memref<2x64x128xf32, #tpu.memory_space<vmem>> -> memref<1x64x128xf32, #tpu.memory_space<vmem>>
        %scatter3A_743 = tpu.memref_squeeze %scatter3A_742 : memref<1x64x128xf32, #tpu.memory_space<vmem>> -> memref<64x128xf32, #tpu.memory_space<vmem>>
        tpu.vector_store_idx %scatter3A_743[%and3A_657, %add3A_173], %gather3A_662 : memref<64x128xf32, #tpu.memory_space<vmem>>[vector<16xi32>, vector<16xi32>], vector<16xf32>,
        %scatter3A_744 = arith.constant 0 : i32
        %scatter3A_745 = arith.constant 0 : i32
        %scatter3A_746 = tpu.memref_slice %arg7[%and3A_93, %scatter3A_744, %scatter3A_745] : memref<2x64x128xf32, #tpu.memory_space<vmem>> -> memref<1x64x128xf32, #tpu.memory_space<vmem>>
        %scatter3A_747 = tpu.memref_squeeze %scatter3A_746 : memref<1x64x128xf32, #tpu.memory_space<vmem>> -> memref<64x128xf32, #tpu.memory_space<vmem>>
        tpu.vector_store_idx %scatter3A_747[%and3A_668, %add3A_173], %gather3A_673 : memref<64x128xf32, #tpu.memory_space<vmem>>[vector<16xi32>, vector<16xi32>], vector<16xf32>,
        %scatter3A_748 = arith.constant 0 : i32
        %scatter3A_749 = arith.constant 0 : i32
        %scatter3A_750 = tpu.memref_slice %arg7[%and3A_93, %scatter3A_748, %scatter3A_749] : memref<2x64x128xf32, #tpu.memory_space<vmem>> -> memref<1x64x128xf32, #tpu.memory_space<vmem>>
        %scatter3A_751 = tpu.memref_squeeze %scatter3A_750 : memref<1x64x128xf32, #tpu.memory_space<vmem>> -> memref<64x128xf32, #tpu.memory_space<vmem>>
        tpu.vector_store_idx %scatter3A_751[%and3A_679, %add3A_173], %gather3A_684 : memref<64x128xf32, #tpu.memory_space<vmem>>[vector<16xi32>, vector<16xi32>], vector<16xf32>,
        %scatter3A_752 = arith.constant 0 : i32
        %scatter3A_753 = arith.constant 0 : i32
        %scatter3A_754 = tpu.memref_slice %arg7[%and3A_93, %scatter3A_752, %scatter3A_753] : memref<2x64x128xf32, #tpu.memory_space<vmem>> -> memref<1x64x128xf32, #tpu.memory_space<vmem>>
        %scatter3A_755 = tpu.memref_squeeze %scatter3A_754 : memref<1x64x128xf32, #tpu.memory_space<vmem>> -> memref<64x128xf32, #tpu.memory_space<vmem>>
        tpu.vector_store_idx %scatter3A_755[%and3A_690, %add3A_173], %gather3A_695 : memref<64x128xf32, #tpu.memory_space<vmem>>[vector<16xi32>, vector<16xi32>], vector<16xf32>,
        %scatter3A_756 = arith.constant 0 : i32
        %scatter3A_757 = arith.constant 0 : i32
        %scatter3A_758 = tpu.memref_slice %arg7[%and3A_93, %scatter3A_756, %scatter3A_757] : memref<2x64x128xf32, #tpu.memory_space<vmem>> -> memref<1x64x128xf32, #tpu.memory_space<vmem>>
        %scatter3A_759 = tpu.memref_squeeze %scatter3A_758 : memref<1x64x128xf32, #tpu.memory_space<vmem>> -> memref<64x128xf32, #tpu.memory_space<vmem>>
        tpu.vector_store_idx %scatter3A_759[%and3A_701, %add3A_173], %gather3A_706 : memref<64x128xf32, #tpu.memory_space<vmem>>[vector<16xi32>, vector<16xi32>], vector<16xf32>,
        %scatter3A_760 = arith.constant 0 : i32
        %scatter3A_761 = arith.constant 0 : i32
        %scatter3A_762 = tpu.memref_slice %arg7[%and3A_93, %scatter3A_760, %scatter3A_761] : memref<2x64x128xf32, #tpu.memory_space<vmem>> -> memref<1x64x128xf32, #tpu.memory_space<vmem>>
        %scatter3A_763 = tpu.memref_squeeze %scatter3A_762 : memref<1x64x128xf32, #tpu.memory_space<vmem>> -> memref<64x128xf32, #tpu.memory_space<vmem>>
        tpu.vector_store_idx %scatter3A_763[%and3A_712, %add3A_173], %gather3A_717 : memref<64x128xf32, #tpu.memory_space<vmem>>[vector<16xi32>, vector<16xi32>], vector<16xf32>,
        %scatter3A_764 = arith.constant 0 : i32
        %scatter3A_765 = arith.constant 0 : i32
        %scatter3A_766 = tpu.memref_slice %arg7[%and3A_93, %scatter3A_764, %scatter3A_765] : memref<2x64x128xf32, #tpu.memory_space<vmem>> -> memref<1x64x128xf32, #tpu.memory_space<vmem>>
        %scatter3A_767 = tpu.memref_squeeze %scatter3A_766 : memref<1x64x128xf32, #tpu.memory_space<vmem>> -> memref<64x128xf32, #tpu.memory_space<vmem>>
        tpu.vector_store_idx %scatter3A_767[%and3A_723, %add3A_173], %gather3A_728 : memref<64x128xf32, #tpu.memory_space<vmem>>[vector<16xi32>, vector<16xi32>], vector<16xf32>,
        %scatter3A_768 = arith.constant 0 : i32
        %scatter3A_769 = arith.constant 0 : i32
        %scatter3A_770 = tpu.memref_slice %arg7[%and3A_93, %scatter3A_768, %scatter3A_769] : memref<2x64x128xf32, #tpu.memory_space<vmem>> -> memref<1x64x128xf32, #tpu.memory_space<vmem>>
        %scatter3A_771 = tpu.memref_squeeze %scatter3A_770 : memref<1x64x128xf32, #tpu.memory_space<vmem>> -> memref<64x128xf32, #tpu.memory_space<vmem>>
        tpu.vector_store_idx %scatter3A_771[%and3A_734, %add3A_173], %gather3A_739 : memref<64x128xf32, #tpu.memory_space<vmem>>[vector<16xi32>, vector<16xi32>], vector<16xf32>,
        %add3A_772 = arith.constant 40 : i32
        %add3A_773 = vector.broadcast %add3A_772 : i32 to vector<16xi32>
        %add3A_774 = arith.addi %iota3A, %add3A_773 : vector<16xi32>
        %and3A_775 = arith.constant 63 : i32
        %and3A_776 = vector.broadcast %and3A_775 : i32 to vector<16xi32>
        %and3A_777 = arith.andi %add3A_774, %and3A_776 : vector<16xi32>
        %gather3A_778 = arith.constant 0 : i32
        %gather3A_779 = arith.constant 0 : i32
        %gather3A_780 = tpu.memref_slice %arg6[%and3A_91, %gather3A_778, %gather3A_779] : memref<4x128x128xf32, #tpu.memory_space<vmem>> -> memref<1x128x128xf32, #tpu.memory_space<vmem>>
        %gather3A_781 = tpu.memref_squeeze %gather3A_780 : memref<1x128x128xf32, #tpu.memory_space<vmem>> -> memref<128x128xf32, #tpu.memory_space<vmem>>
        %gather3A_782 = tpu.vector_load_idx %gather3A_781[%add3A_173, %and3A_777] : memref<128x128xf32, #tpu.memory_space<vmem>>[vector<16xi32>, vector<16xi32>], vector<16xf32>,
        %add3A_783 = arith.constant 41 : i32
        %add3A_784 = vector.broadcast %add3A_783 : i32 to vector<16xi32>
        %add3A_785 = arith.addi %iota3A, %add3A_784 : vector<16xi32>
        %and3A_786 = arith.constant 63 : i32
        %and3A_787 = vector.broadcast %and3A_786 : i32 to vector<16xi32>
        %and3A_788 = arith.andi %add3A_785, %and3A_787 : vector<16xi32>
        %gather3A_789 = arith.constant 0 : i32
        %gather3A_790 = arith.constant 0 : i32
        %gather3A_791 = tpu.memref_slice %arg6[%and3A_91, %gather3A_789, %gather3A_790] : memref<4x128x128xf32, #tpu.memory_space<vmem>> -> memref<1x128x128xf32, #tpu.memory_space<vmem>>
        %gather3A_792 = tpu.memref_squeeze %gather3A_791 : memref<1x128x128xf32, #tpu.memory_space<vmem>> -> memref<128x128xf32, #tpu.memory_space<vmem>>
        %gather3A_793 = tpu.vector_load_idx %gather3A_792[%add3A_173, %and3A_788] : memref<128x128xf32, #tpu.memory_space<vmem>>[vector<16xi32>, vector<16xi32>], vector<16xf32>,
        %add3A_794 = arith.constant 42 : i32
        %add3A_795 = vector.broadcast %add3A_794 : i32 to vector<16xi32>
        %add3A_796 = arith.addi %iota3A, %add3A_795 : vector<16xi32>
        %and3A_797 = arith.constant 63 : i32
        %and3A_798 = vector.broadcast %and3A_797 : i32 to vector<16xi32>
        %and3A_799 = arith.andi %add3A_796, %and3A_798 : vector<16xi32>
        %gather3A_800 = arith.constant 0 : i32
        %gather3A_801 = arith.constant 0 : i32
        %gather3A_802 = tpu.memref_slice %arg6[%and3A_91, %gather3A_800, %gather3A_801] : memref<4x128x128xf32, #tpu.memory_space<vmem>> -> memref<1x128x128xf32, #tpu.memory_space<vmem>>
        %gather3A_803 = tpu.memref_squeeze %gather3A_802 : memref<1x128x128xf32, #tpu.memory_space<vmem>> -> memref<128x128xf32, #tpu.memory_space<vmem>>
        %gather3A_804 = tpu.vector_load_idx %gather3A_803[%add3A_173, %and3A_799] : memref<128x128xf32, #tpu.memory_space<vmem>>[vector<16xi32>, vector<16xi32>], vector<16xf32>,
        %add3A_805 = arith.constant 43 : i32
        %add3A_806 = vector.broadcast %add3A_805 : i32 to vector<16xi32>
        %add3A_807 = arith.addi %iota3A, %add3A_806 : vector<16xi32>
        %and3A_808 = arith.constant 63 : i32
        %and3A_809 = vector.broadcast %and3A_808 : i32 to vector<16xi32>
        %and3A_810 = arith.andi %add3A_807, %and3A_809 : vector<16xi32>
        %gather3A_811 = arith.constant 0 : i32
        %gather3A_812 = arith.constant 0 : i32
        %gather3A_813 = tpu.memref_slice %arg6[%and3A_91, %gather3A_811, %gather3A_812] : memref<4x128x128xf32, #tpu.memory_space<vmem>> -> memref<1x128x128xf32, #tpu.memory_space<vmem>>
        %gather3A_814 = tpu.memref_squeeze %gather3A_813 : memref<1x128x128xf32, #tpu.memory_space<vmem>> -> memref<128x128xf32, #tpu.memory_space<vmem>>
        %gather3A_815 = tpu.vector_load_idx %gather3A_814[%add3A_173, %and3A_810] : memref<128x128xf32, #tpu.memory_space<vmem>>[vector<16xi32>, vector<16xi32>], vector<16xf32>,
        %add3A_816 = arith.constant 44 : i32
        %add3A_817 = vector.broadcast %add3A_816 : i32 to vector<16xi32>
        %add3A_818 = arith.addi %iota3A, %add3A_817 : vector<16xi32>
        %and3A_819 = arith.constant 63 : i32
        %and3A_820 = vector.broadcast %and3A_819 : i32 to vector<16xi32>
        %and3A_821 = arith.andi %add3A_818, %and3A_820 : vector<16xi32>
        %gather3A_822 = arith.constant 0 : i32
        %gather3A_823 = arith.constant 0 : i32
        %gather3A_824 = tpu.memref_slice %arg6[%and3A_91, %gather3A_822, %gather3A_823] : memref<4x128x128xf32, #tpu.memory_space<vmem>> -> memref<1x128x128xf32, #tpu.memory_space<vmem>>
        %gather3A_825 = tpu.memref_squeeze %gather3A_824 : memref<1x128x128xf32, #tpu.memory_space<vmem>> -> memref<128x128xf32, #tpu.memory_space<vmem>>
        %gather3A_826 = tpu.vector_load_idx %gather3A_825[%add3A_173, %and3A_821] : memref<128x128xf32, #tpu.memory_space<vmem>>[vector<16xi32>, vector<16xi32>], vector<16xf32>,
        %add3A_827 = arith.constant 45 : i32
        %add3A_828 = vector.broadcast %add3A_827 : i32 to vector<16xi32>
        %add3A_829 = arith.addi %iota3A, %add3A_828 : vector<16xi32>
        %and3A_830 = arith.constant 63 : i32
        %and3A_831 = vector.broadcast %and3A_830 : i32 to vector<16xi32>
        %and3A_832 = arith.andi %add3A_829, %and3A_831 : vector<16xi32>
        %gather3A_833 = arith.constant 0 : i32
        %gather3A_834 = arith.constant 0 : i32
        %gather3A_835 = tpu.memref_slice %arg6[%and3A_91, %gather3A_833, %gather3A_834] : memref<4x128x128xf32, #tpu.memory_space<vmem>> -> memref<1x128x128xf32, #tpu.memory_space<vmem>>
        %gather3A_836 = tpu.memref_squeeze %gather3A_835 : memref<1x128x128xf32, #tpu.memory_space<vmem>> -> memref<128x128xf32, #tpu.memory_space<vmem>>
        %gather3A_837 = tpu.vector_load_idx %gather3A_836[%add3A_173, %and3A_832] : memref<128x128xf32, #tpu.memory_space<vmem>>[vector<16xi32>, vector<16xi32>], vector<16xf32>,
        %add3A_838 = arith.constant 46 : i32
        %add3A_839 = vector.broadcast %add3A_838 : i32 to vector<16xi32>
        %add3A_840 = arith.addi %iota3A, %add3A_839 : vector<16xi32>
        %and3A_841 = arith.constant 63 : i32
        %and3A_842 = vector.broadcast %and3A_841 : i32 to vector<16xi32>
        %and3A_843 = arith.andi %add3A_840, %and3A_842 : vector<16xi32>
        %gather3A_844 = arith.constant 0 : i32
        %gather3A_845 = arith.constant 0 : i32
        %gather3A_846 = tpu.memref_slice %arg6[%and3A_91, %gather3A_844, %gather3A_845] : memref<4x128x128xf32, #tpu.memory_space<vmem>> -> memref<1x128x128xf32, #tpu.memory_space<vmem>>
        %gather3A_847 = tpu.memref_squeeze %gather3A_846 : memref<1x128x128xf32, #tpu.memory_space<vmem>> -> memref<128x128xf32, #tpu.memory_space<vmem>>
        %gather3A_848 = tpu.vector_load_idx %gather3A_847[%add3A_173, %and3A_843] : memref<128x128xf32, #tpu.memory_space<vmem>>[vector<16xi32>, vector<16xi32>], vector<16xf32>,
        %add3A_849 = arith.constant 47 : i32
        %add3A_850 = vector.broadcast %add3A_849 : i32 to vector<16xi32>
        %add3A_851 = arith.addi %iota3A, %add3A_850 : vector<16xi32>
        %and3A_852 = arith.constant 63 : i32
        %and3A_853 = vector.broadcast %and3A_852 : i32 to vector<16xi32>
        %and3A_854 = arith.andi %add3A_851, %and3A_853 : vector<16xi32>
        %gather3A_855 = arith.constant 0 : i32
        %gather3A_856 = arith.constant 0 : i32
        %gather3A_857 = tpu.memref_slice %arg6[%and3A_91, %gather3A_855, %gather3A_856] : memref<4x128x128xf32, #tpu.memory_space<vmem>> -> memref<1x128x128xf32, #tpu.memory_space<vmem>>
        %gather3A_858 = tpu.memref_squeeze %gather3A_857 : memref<1x128x128xf32, #tpu.memory_space<vmem>> -> memref<128x128xf32, #tpu.memory_space<vmem>>
        %gather3A_859 = tpu.vector_load_idx %gather3A_858[%add3A_173, %and3A_854] : memref<128x128xf32, #tpu.memory_space<vmem>>[vector<16xi32>, vector<16xi32>], vector<16xf32>,
        %scatter3A_860 = arith.constant 0 : i32
        %scatter3A_861 = arith.constant 0 : i32
        %scatter3A_862 = tpu.memref_slice %arg7[%and3A_93, %scatter3A_860, %scatter3A_861] : memref<2x64x128xf32, #tpu.memory_space<vmem>> -> memref<1x64x128xf32, #tpu.memory_space<vmem>>
        %scatter3A_863 = tpu.memref_squeeze %scatter3A_862 : memref<1x64x128xf32, #tpu.memory_space<vmem>> -> memref<64x128xf32, #tpu.memory_space<vmem>>
        tpu.vector_store_idx %scatter3A_863[%and3A_777, %add3A_173], %gather3A_782 : memref<64x128xf32, #tpu.memory_space<vmem>>[vector<16xi32>, vector<16xi32>], vector<16xf32>,
        %scatter3A_864 = arith.constant 0 : i32
        %scatter3A_865 = arith.constant 0 : i32
        %scatter3A_866 = tpu.memref_slice %arg7[%and3A_93, %scatter3A_864, %scatter3A_865] : memref<2x64x128xf32, #tpu.memory_space<vmem>> -> memref<1x64x128xf32, #tpu.memory_space<vmem>>
        %scatter3A_867 = tpu.memref_squeeze %scatter3A_866 : memref<1x64x128xf32, #tpu.memory_space<vmem>> -> memref<64x128xf32, #tpu.memory_space<vmem>>
        tpu.vector_store_idx %scatter3A_867[%and3A_788, %add3A_173], %gather3A_793 : memref<64x128xf32, #tpu.memory_space<vmem>>[vector<16xi32>, vector<16xi32>], vector<16xf32>,
        %scatter3A_868 = arith.constant 0 : i32
        %scatter3A_869 = arith.constant 0 : i32
        %scatter3A_870 = tpu.memref_slice %arg7[%and3A_93, %scatter3A_868, %scatter3A_869] : memref<2x64x128xf32, #tpu.memory_space<vmem>> -> memref<1x64x128xf32, #tpu.memory_space<vmem>>
        %scatter3A_871 = tpu.memref_squeeze %scatter3A_870 : memref<1x64x128xf32, #tpu.memory_space<vmem>> -> memref<64x128xf32, #tpu.memory_space<vmem>>
        tpu.vector_store_idx %scatter3A_871[%and3A_799, %add3A_173], %gather3A_804 : memref<64x128xf32, #tpu.memory_space<vmem>>[vector<16xi32>, vector<16xi32>], vector<16xf32>,
        %scatter3A_872 = arith.constant 0 : i32
        %scatter3A_873 = arith.constant 0 : i32
        %scatter3A_874 = tpu.memref_slice %arg7[%and3A_93, %scatter3A_872, %scatter3A_873] : memref<2x64x128xf32, #tpu.memory_space<vmem>> -> memref<1x64x128xf32, #tpu.memory_space<vmem>>
        %scatter3A_875 = tpu.memref_squeeze %scatter3A_874 : memref<1x64x128xf32, #tpu.memory_space<vmem>> -> memref<64x128xf32, #tpu.memory_space<vmem>>
        tpu.vector_store_idx %scatter3A_875[%and3A_810, %add3A_173], %gather3A_815 : memref<64x128xf32, #tpu.memory_space<vmem>>[vector<16xi32>, vector<16xi32>], vector<16xf32>,
        %scatter3A_876 = arith.constant 0 : i32
        %scatter3A_877 = arith.constant 0 : i32
        %scatter3A_878 = tpu.memref_slice %arg7[%and3A_93, %scatter3A_876, %scatter3A_877] : memref<2x64x128xf32, #tpu.memory_space<vmem>> -> memref<1x64x128xf32, #tpu.memory_space<vmem>>
        %scatter3A_879 = tpu.memref_squeeze %scatter3A_878 : memref<1x64x128xf32, #tpu.memory_space<vmem>> -> memref<64x128xf32, #tpu.memory_space<vmem>>
        tpu.vector_store_idx %scatter3A_879[%and3A_821, %add3A_173], %gather3A_826 : memref<64x128xf32, #tpu.memory_space<vmem>>[vector<16xi32>, vector<16xi32>], vector<16xf32>,
        %scatter3A_880 = arith.constant 0 : i32
        %scatter3A_881 = arith.constant 0 : i32
        %scatter3A_882 = tpu.memref_slice %arg7[%and3A_93, %scatter3A_880, %scatter3A_881] : memref<2x64x128xf32, #tpu.memory_space<vmem>> -> memref<1x64x128xf32, #tpu.memory_space<vmem>>
        %scatter3A_883 = tpu.memref_squeeze %scatter3A_882 : memref<1x64x128xf32, #tpu.memory_space<vmem>> -> memref<64x128xf32, #tpu.memory_space<vmem>>
        tpu.vector_store_idx %scatter3A_883[%and3A_832, %add3A_173], %gather3A_837 : memref<64x128xf32, #tpu.memory_space<vmem>>[vector<16xi32>, vector<16xi32>], vector<16xf32>,
        %scatter3A_884 = arith.constant 0 : i32
        %scatter3A_885 = arith.constant 0 : i32
        %scatter3A_886 = tpu.memref_slice %arg7[%and3A_93, %scatter3A_884, %scatter3A_885] : memref<2x64x128xf32, #tpu.memory_space<vmem>> -> memref<1x64x128xf32, #tpu.memory_space<vmem>>
        %scatter3A_887 = tpu.memref_squeeze %scatter3A_886 : memref<1x64x128xf32, #tpu.memory_space<vmem>> -> memref<64x128xf32, #tpu.memory_space<vmem>>
        tpu.vector_store_idx %scatter3A_887[%and3A_843, %add3A_173], %gather3A_848 : memref<64x128xf32, #tpu.memory_space<vmem>>[vector<16xi32>, vector<16xi32>], vector<16xf32>,
        %scatter3A_888 = arith.constant 0 : i32
        %scatter3A_889 = arith.constant 0 : i32
        %scatter3A_890 = tpu.memref_slice %arg7[%and3A_93, %scatter3A_888, %scatter3A_889] : memref<2x64x128xf32, #tpu.memory_space<vmem>> -> memref<1x64x128xf32, #tpu.memory_space<vmem>>
        %scatter3A_891 = tpu.memref_squeeze %scatter3A_890 : memref<1x64x128xf32, #tpu.memory_space<vmem>> -> memref<64x128xf32, #tpu.memory_space<vmem>>
        tpu.vector_store_idx %scatter3A_891[%and3A_854, %add3A_173], %gather3A_859 : memref<64x128xf32, #tpu.memory_space<vmem>>[vector<16xi32>, vector<16xi32>], vector<16xf32>,
        %add3A_892 = arith.constant 48 : i32
        %add3A_893 = vector.broadcast %add3A_892 : i32 to vector<16xi32>
        %add3A_894 = arith.addi %iota3A, %add3A_893 : vector<16xi32>
        %and3A_895 = arith.constant 63 : i32
        %and3A_896 = vector.broadcast %and3A_895 : i32 to vector<16xi32>
        %and3A_897 = arith.andi %add3A_894, %and3A_896 : vector<16xi32>
        %gather3A_898 = arith.constant 0 : i32
        %gather3A_899 = arith.constant 0 : i32
        %gather3A_900 = tpu.memref_slice %arg6[%and3A_91, %gather3A_898, %gather3A_899] : memref<4x128x128xf32, #tpu.memory_space<vmem>> -> memref<1x128x128xf32, #tpu.memory_space<vmem>>
        %gather3A_901 = tpu.memref_squeeze %gather3A_900 : memref<1x128x128xf32, #tpu.memory_space<vmem>> -> memref<128x128xf32, #tpu.memory_space<vmem>>
        %gather3A_902 = tpu.vector_load_idx %gather3A_901[%add3A_173, %and3A_897] : memref<128x128xf32, #tpu.memory_space<vmem>>[vector<16xi32>, vector<16xi32>], vector<16xf32>,
        %add3A_903 = arith.constant 49 : i32
        %add3A_904 = vector.broadcast %add3A_903 : i32 to vector<16xi32>
        %add3A_905 = arith.addi %iota3A, %add3A_904 : vector<16xi32>
        %and3A_906 = arith.constant 63 : i32
        %and3A_907 = vector.broadcast %and3A_906 : i32 to vector<16xi32>
        %and3A_908 = arith.andi %add3A_905, %and3A_907 : vector<16xi32>
        %gather3A_909 = arith.constant 0 : i32
        %gather3A_910 = arith.constant 0 : i32
        %gather3A_911 = tpu.memref_slice %arg6[%and3A_91, %gather3A_909, %gather3A_910] : memref<4x128x128xf32, #tpu.memory_space<vmem>> -> memref<1x128x128xf32, #tpu.memory_space<vmem>>
        %gather3A_912 = tpu.memref_squeeze %gather3A_911 : memref<1x128x128xf32, #tpu.memory_space<vmem>> -> memref<128x128xf32, #tpu.memory_space<vmem>>
        %gather3A_913 = tpu.vector_load_idx %gather3A_912[%add3A_173, %and3A_908] : memref<128x128xf32, #tpu.memory_space<vmem>>[vector<16xi32>, vector<16xi32>], vector<16xf32>,
        %add3A_914 = arith.constant 50 : i32
        %add3A_915 = vector.broadcast %add3A_914 : i32 to vector<16xi32>
        %add3A_916 = arith.addi %iota3A, %add3A_915 : vector<16xi32>
        %and3A_917 = arith.constant 63 : i32
        %and3A_918 = vector.broadcast %and3A_917 : i32 to vector<16xi32>
        %and3A_919 = arith.andi %add3A_916, %and3A_918 : vector<16xi32>
        %gather3A_920 = arith.constant 0 : i32
        %gather3A_921 = arith.constant 0 : i32
        %gather3A_922 = tpu.memref_slice %arg6[%and3A_91, %gather3A_920, %gather3A_921] : memref<4x128x128xf32, #tpu.memory_space<vmem>> -> memref<1x128x128xf32, #tpu.memory_space<vmem>>
        %gather3A_923 = tpu.memref_squeeze %gather3A_922 : memref<1x128x128xf32, #tpu.memory_space<vmem>> -> memref<128x128xf32, #tpu.memory_space<vmem>>
        %gather3A_924 = tpu.vector_load_idx %gather3A_923[%add3A_173, %and3A_919] : memref<128x128xf32, #tpu.memory_space<vmem>>[vector<16xi32>, vector<16xi32>], vector<16xf32>,
        %add3A_925 = arith.constant 51 : i32
        %add3A_926 = vector.broadcast %add3A_925 : i32 to vector<16xi32>
        %add3A_927 = arith.addi %iota3A, %add3A_926 : vector<16xi32>
        %and3A_928 = arith.constant 63 : i32
        %and3A_929 = vector.broadcast %and3A_928 : i32 to vector<16xi32>
        %and3A_930 = arith.andi %add3A_927, %and3A_929 : vector<16xi32>
        %gather3A_931 = arith.constant 0 : i32
        %gather3A_932 = arith.constant 0 : i32
        %gather3A_933 = tpu.memref_slice %arg6[%and3A_91, %gather3A_931, %gather3A_932] : memref<4x128x128xf32, #tpu.memory_space<vmem>> -> memref<1x128x128xf32, #tpu.memory_space<vmem>>
        %gather3A_934 = tpu.memref_squeeze %gather3A_933 : memref<1x128x128xf32, #tpu.memory_space<vmem>> -> memref<128x128xf32, #tpu.memory_space<vmem>>
        %gather3A_935 = tpu.vector_load_idx %gather3A_934[%add3A_173, %and3A_930] : memref<128x128xf32, #tpu.memory_space<vmem>>[vector<16xi32>, vector<16xi32>], vector<16xf32>,
        %add3A_936 = arith.constant 52 : i32
        %add3A_937 = vector.broadcast %add3A_936 : i32 to vector<16xi32>
        %add3A_938 = arith.addi %iota3A, %add3A_937 : vector<16xi32>
        %and3A_939 = arith.constant 63 : i32
        %and3A_940 = vector.broadcast %and3A_939 : i32 to vector<16xi32>
        %and3A_941 = arith.andi %add3A_938, %and3A_940 : vector<16xi32>
        %gather3A_942 = arith.constant 0 : i32
        %gather3A_943 = arith.constant 0 : i32
        %gather3A_944 = tpu.memref_slice %arg6[%and3A_91, %gather3A_942, %gather3A_943] : memref<4x128x128xf32, #tpu.memory_space<vmem>> -> memref<1x128x128xf32, #tpu.memory_space<vmem>>
        %gather3A_945 = tpu.memref_squeeze %gather3A_944 : memref<1x128x128xf32, #tpu.memory_space<vmem>> -> memref<128x128xf32, #tpu.memory_space<vmem>>
        %gather3A_946 = tpu.vector_load_idx %gather3A_945[%add3A_173, %and3A_941] : memref<128x128xf32, #tpu.memory_space<vmem>>[vector<16xi32>, vector<16xi32>], vector<16xf32>,
        %add3A_947 = arith.constant 53 : i32
        %add3A_948 = vector.broadcast %add3A_947 : i32 to vector<16xi32>
        %add3A_949 = arith.addi %iota3A, %add3A_948 : vector<16xi32>
        %and3A_950 = arith.constant 63 : i32
        %and3A_951 = vector.broadcast %and3A_950 : i32 to vector<16xi32>
        %and3A_952 = arith.andi %add3A_949, %and3A_951 : vector<16xi32>
        %gather3A_953 = arith.constant 0 : i32
        %gather3A_954 = arith.constant 0 : i32
        %gather3A_955 = tpu.memref_slice %arg6[%and3A_91, %gather3A_953, %gather3A_954] : memref<4x128x128xf32, #tpu.memory_space<vmem>> -> memref<1x128x128xf32, #tpu.memory_space<vmem>>
        %gather3A_956 = tpu.memref_squeeze %gather3A_955 : memref<1x128x128xf32, #tpu.memory_space<vmem>> -> memref<128x128xf32, #tpu.memory_space<vmem>>
        %gather3A_957 = tpu.vector_load_idx %gather3A_956[%add3A_173, %and3A_952] : memref<128x128xf32, #tpu.memory_space<vmem>>[vector<16xi32>, vector<16xi32>], vector<16xf32>,
        %add3A_958 = arith.constant 54 : i32
        %add3A_959 = vector.broadcast %add3A_958 : i32 to vector<16xi32>
        %add3A_960 = arith.addi %iota3A, %add3A_959 : vector<16xi32>
        %and3A_961 = arith.constant 63 : i32
        %and3A_962 = vector.broadcast %and3A_961 : i32 to vector<16xi32>
        %and3A_963 = arith.andi %add3A_960, %and3A_962 : vector<16xi32>
        %gather3A_964 = arith.constant 0 : i32
        %gather3A_965 = arith.constant 0 : i32
        %gather3A_966 = tpu.memref_slice %arg6[%and3A_91, %gather3A_964, %gather3A_965] : memref<4x128x128xf32, #tpu.memory_space<vmem>> -> memref<1x128x128xf32, #tpu.memory_space<vmem>>
        %gather3A_967 = tpu.memref_squeeze %gather3A_966 : memref<1x128x128xf32, #tpu.memory_space<vmem>> -> memref<128x128xf32, #tpu.memory_space<vmem>>
        %gather3A_968 = tpu.vector_load_idx %gather3A_967[%add3A_173, %and3A_963] : memref<128x128xf32, #tpu.memory_space<vmem>>[vector<16xi32>, vector<16xi32>], vector<16xf32>,
        %add3A_969 = arith.constant 55 : i32
        %add3A_970 = vector.broadcast %add3A_969 : i32 to vector<16xi32>
        %add3A_971 = arith.addi %iota3A, %add3A_970 : vector<16xi32>
        %and3A_972 = arith.constant 63 : i32
        %and3A_973 = vector.broadcast %and3A_972 : i32 to vector<16xi32>
        %and3A_974 = arith.andi %add3A_971, %and3A_973 : vector<16xi32>
        %gather3A_975 = arith.constant 0 : i32
        %gather3A_976 = arith.constant 0 : i32
        %gather3A_977 = tpu.memref_slice %arg6[%and3A_91, %gather3A_975, %gather3A_976] : memref<4x128x128xf32, #tpu.memory_space<vmem>> -> memref<1x128x128xf32, #tpu.memory_space<vmem>>
        %gather3A_978 = tpu.memref_squeeze %gather3A_977 : memref<1x128x128xf32, #tpu.memory_space<vmem>> -> memref<128x128xf32, #tpu.memory_space<vmem>>
        %gather3A_979 = tpu.vector_load_idx %gather3A_978[%add3A_173, %and3A_974] : memref<128x128xf32, #tpu.memory_space<vmem>>[vector<16xi32>, vector<16xi32>], vector<16xf32>,
        %scatter3A_980 = arith.constant 0 : i32
        %scatter3A_981 = arith.constant 0 : i32
        %scatter3A_982 = tpu.memref_slice %arg7[%and3A_93, %scatter3A_980, %scatter3A_981] : memref<2x64x128xf32, #tpu.memory_space<vmem>> -> memref<1x64x128xf32, #tpu.memory_space<vmem>>
        %scatter3A_983 = tpu.memref_squeeze %scatter3A_982 : memref<1x64x128xf32, #tpu.memory_space<vmem>> -> memref<64x128xf32, #tpu.memory_space<vmem>>
        tpu.vector_store_idx %scatter3A_983[%and3A_897, %add3A_173], %gather3A_902 : memref<64x128xf32, #tpu.memory_space<vmem>>[vector<16xi32>, vector<16xi32>], vector<16xf32>,
        %scatter3A_984 = arith.constant 0 : i32
        %scatter3A_985 = arith.constant 0 : i32
        %scatter3A_986 = tpu.memref_slice %arg7[%and3A_93, %scatter3A_984, %scatter3A_985] : memref<2x64x128xf32, #tpu.memory_space<vmem>> -> memref<1x64x128xf32, #tpu.memory_space<vmem>>
        %scatter3A_987 = tpu.memref_squeeze %scatter3A_986 : memref<1x64x128xf32, #tpu.memory_space<vmem>> -> memref<64x128xf32, #tpu.memory_space<vmem>>
        tpu.vector_store_idx %scatter3A_987[%and3A_908, %add3A_173], %gather3A_913 : memref<64x128xf32, #tpu.memory_space<vmem>>[vector<16xi32>, vector<16xi32>], vector<16xf32>,
        %scatter3A_988 = arith.constant 0 : i32
        %scatter3A_989 = arith.constant 0 : i32
        %scatter3A_990 = tpu.memref_slice %arg7[%and3A_93, %scatter3A_988, %scatter3A_989] : memref<2x64x128xf32, #tpu.memory_space<vmem>> -> memref<1x64x128xf32, #tpu.memory_space<vmem>>
        %scatter3A_991 = tpu.memref_squeeze %scatter3A_990 : memref<1x64x128xf32, #tpu.memory_space<vmem>> -> memref<64x128xf32, #tpu.memory_space<vmem>>
        tpu.vector_store_idx %scatter3A_991[%and3A_919, %add3A_173], %gather3A_924 : memref<64x128xf32, #tpu.memory_space<vmem>>[vector<16xi32>, vector<16xi32>], vector<16xf32>,
        %scatter3A_992 = arith.constant 0 : i32
        %scatter3A_993 = arith.constant 0 : i32
        %scatter3A_994 = tpu.memref_slice %arg7[%and3A_93, %scatter3A_992, %scatter3A_993] : memref<2x64x128xf32, #tpu.memory_space<vmem>> -> memref<1x64x128xf32, #tpu.memory_space<vmem>>
        %scatter3A_995 = tpu.memref_squeeze %scatter3A_994 : memref<1x64x128xf32, #tpu.memory_space<vmem>> -> memref<64x128xf32, #tpu.memory_space<vmem>>
        tpu.vector_store_idx %scatter3A_995[%and3A_930, %add3A_173], %gather3A_935 : memref<64x128xf32, #tpu.memory_space<vmem>>[vector<16xi32>, vector<16xi32>], vector<16xf32>,
        %scatter3A_996 = arith.constant 0 : i32
        %scatter3A_997 = arith.constant 0 : i32
        %scatter3A_998 = tpu.memref_slice %arg7[%and3A_93, %scatter3A_996, %scatter3A_997] : memref<2x64x128xf32, #tpu.memory_space<vmem>> -> memref<1x64x128xf32, #tpu.memory_space<vmem>>
        %scatter3A_999 = tpu.memref_squeeze %scatter3A_998 : memref<1x64x128xf32, #tpu.memory_space<vmem>> -> memref<64x128xf32, #tpu.memory_space<vmem>>
        tpu.vector_store_idx %scatter3A_999[%and3A_941, %add3A_173], %gather3A_946 : memref<64x128xf32, #tpu.memory_space<vmem>>[vector<16xi32>, vector<16xi32>], vector<16xf32>,
        %scatter3A_1000 = arith.constant 0 : i32
        %scatter3A_1001 = arith.constant 0 : i32
        %scatter3A_1002 = tpu.memref_slice %arg7[%and3A_93, %scatter3A_1000, %scatter3A_1001] : memref<2x64x128xf32, #tpu.memory_space<vmem>> -> memref<1x64x128xf32, #tpu.memory_space<vmem>>
        %scatter3A_1003 = tpu.memref_squeeze %scatter3A_1002 : memref<1x64x128xf32, #tpu.memory_space<vmem>> -> memref<64x128xf32, #tpu.memory_space<vmem>>
        tpu.vector_store_idx %scatter3A_1003[%and3A_952, %add3A_173], %gather3A_957 : memref<64x128xf32, #tpu.memory_space<vmem>>[vector<16xi32>, vector<16xi32>], vector<16xf32>,
        %scatter3A_1004 = arith.constant 0 : i32
        %scatter3A_1005 = arith.constant 0 : i32
        %scatter3A_1006 = tpu.memref_slice %arg7[%and3A_93, %scatter3A_1004, %scatter3A_1005] : memref<2x64x128xf32, #tpu.memory_space<vmem>> -> memref<1x64x128xf32, #tpu.memory_space<vmem>>
        %scatter3A_1007 = tpu.memref_squeeze %scatter3A_1006 : memref<1x64x128xf32, #tpu.memory_space<vmem>> -> memref<64x128xf32, #tpu.memory_space<vmem>>
        tpu.vector_store_idx %scatter3A_1007[%and3A_963, %add3A_173], %gather3A_968 : memref<64x128xf32, #tpu.memory_space<vmem>>[vector<16xi32>, vector<16xi32>], vector<16xf32>,
        %scatter3A_1008 = arith.constant 0 : i32
        %scatter3A_1009 = arith.constant 0 : i32
        %scatter3A_1010 = tpu.memref_slice %arg7[%and3A_93, %scatter3A_1008, %scatter3A_1009] : memref<2x64x128xf32, #tpu.memory_space<vmem>> -> memref<1x64x128xf32, #tpu.memory_space<vmem>>
        %scatter3A_1011 = tpu.memref_squeeze %scatter3A_1010 : memref<1x64x128xf32, #tpu.memory_space<vmem>> -> memref<64x128xf32, #tpu.memory_space<vmem>>
        tpu.vector_store_idx %scatter3A_1011[%and3A_974, %add3A_173], %gather3A_979 : memref<64x128xf32, #tpu.memory_space<vmem>>[vector<16xi32>, vector<16xi32>], vector<16xf32>,
        %add3A_1012 = arith.constant 56 : i32
        %add3A_1013 = vector.broadcast %add3A_1012 : i32 to vector<16xi32>
        %add3A_1014 = arith.addi %iota3A, %add3A_1013 : vector<16xi32>
        %and3A_1015 = arith.constant 63 : i32
        %and3A_1016 = vector.broadcast %and3A_1015 : i32 to vector<16xi32>
        %and3A_1017 = arith.andi %add3A_1014, %and3A_1016 : vector<16xi32>
        %gather3A_1018 = arith.constant 0 : i32
        %gather3A_1019 = arith.constant 0 : i32
        %gather3A_1020 = tpu.memref_slice %arg6[%and3A_91, %gather3A_1018, %gather3A_1019] : memref<4x128x128xf32, #tpu.memory_space<vmem>> -> memref<1x128x128xf32, #tpu.memory_space<vmem>>
        %gather3A_1021 = tpu.memref_squeeze %gather3A_1020 : memref<1x128x128xf32, #tpu.memory_space<vmem>> -> memref<128x128xf32, #tpu.memory_space<vmem>>
        %gather3A_1022 = tpu.vector_load_idx %gather3A_1021[%add3A_173, %and3A_1017] : memref<128x128xf32, #tpu.memory_space<vmem>>[vector<16xi32>, vector<16xi32>], vector<16xf32>,
        %add3A_1023 = arith.constant 57 : i32
        %add3A_1024 = vector.broadcast %add3A_1023 : i32 to vector<16xi32>
        %add3A_1025 = arith.addi %iota3A, %add3A_1024 : vector<16xi32>
        %and3A_1026 = arith.constant 63 : i32
        %and3A_1027 = vector.broadcast %and3A_1026 : i32 to vector<16xi32>
        %and3A_1028 = arith.andi %add3A_1025, %and3A_1027 : vector<16xi32>
        %gather3A_1029 = arith.constant 0 : i32
        %gather3A_1030 = arith.constant 0 : i32
        %gather3A_1031 = tpu.memref_slice %arg6[%and3A_91, %gather3A_1029, %gather3A_1030] : memref<4x128x128xf32, #tpu.memory_space<vmem>> -> memref<1x128x128xf32, #tpu.memory_space<vmem>>
        %gather3A_1032 = tpu.memref_squeeze %gather3A_1031 : memref<1x128x128xf32, #tpu.memory_space<vmem>> -> memref<128x128xf32, #tpu.memory_space<vmem>>
        %gather3A_1033 = tpu.vector_load_idx %gather3A_1032[%add3A_173, %and3A_1028] : memref<128x128xf32, #tpu.memory_space<vmem>>[vector<16xi32>, vector<16xi32>], vector<16xf32>,
        %add3A_1034 = arith.constant 58 : i32
        %add3A_1035 = vector.broadcast %add3A_1034 : i32 to vector<16xi32>
        %add3A_1036 = arith.addi %iota3A, %add3A_1035 : vector<16xi32>
        %and3A_1037 = arith.constant 63 : i32
        %and3A_1038 = vector.broadcast %and3A_1037 : i32 to vector<16xi32>
        %and3A_1039 = arith.andi %add3A_1036, %and3A_1038 : vector<16xi32>
        %gather3A_1040 = arith.constant 0 : i32
        %gather3A_1041 = arith.constant 0 : i32
        %gather3A_1042 = tpu.memref_slice %arg6[%and3A_91, %gather3A_1040, %gather3A_1041] : memref<4x128x128xf32, #tpu.memory_space<vmem>> -> memref<1x128x128xf32, #tpu.memory_space<vmem>>
        %gather3A_1043 = tpu.memref_squeeze %gather3A_1042 : memref<1x128x128xf32, #tpu.memory_space<vmem>> -> memref<128x128xf32, #tpu.memory_space<vmem>>
        %gather3A_1044 = tpu.vector_load_idx %gather3A_1043[%add3A_173, %and3A_1039] : memref<128x128xf32, #tpu.memory_space<vmem>>[vector<16xi32>, vector<16xi32>], vector<16xf32>,
        %add3A_1045 = arith.constant 59 : i32
        %add3A_1046 = vector.broadcast %add3A_1045 : i32 to vector<16xi32>
        %add3A_1047 = arith.addi %iota3A, %add3A_1046 : vector<16xi32>
        %and3A_1048 = arith.constant 63 : i32
        %and3A_1049 = vector.broadcast %and3A_1048 : i32 to vector<16xi32>
        %and3A_1050 = arith.andi %add3A_1047, %and3A_1049 : vector<16xi32>
        %gather3A_1051 = arith.constant 0 : i32
        %gather3A_1052 = arith.constant 0 : i32
        %gather3A_1053 = tpu.memref_slice %arg6[%and3A_91, %gather3A_1051, %gather3A_1052] : memref<4x128x128xf32, #tpu.memory_space<vmem>> -> memref<1x128x128xf32, #tpu.memory_space<vmem>>
        %gather3A_1054 = tpu.memref_squeeze %gather3A_1053 : memref<1x128x128xf32, #tpu.memory_space<vmem>> -> memref<128x128xf32, #tpu.memory_space<vmem>>
        %gather3A_1055 = tpu.vector_load_idx %gather3A_1054[%add3A_173, %and3A_1050] : memref<128x128xf32, #tpu.memory_space<vmem>>[vector<16xi32>, vector<16xi32>], vector<16xf32>,
        %add3A_1056 = arith.constant 60 : i32
        %add3A_1057 = vector.broadcast %add3A_1056 : i32 to vector<16xi32>
        %add3A_1058 = arith.addi %iota3A, %add3A_1057 : vector<16xi32>
        %and3A_1059 = arith.constant 63 : i32
        %and3A_1060 = vector.broadcast %and3A_1059 : i32 to vector<16xi32>
        %and3A_1061 = arith.andi %add3A_1058, %and3A_1060 : vector<16xi32>
        %gather3A_1062 = arith.constant 0 : i32
        %gather3A_1063 = arith.constant 0 : i32
        %gather3A_1064 = tpu.memref_slice %arg6[%and3A_91, %gather3A_1062, %gather3A_1063] : memref<4x128x128xf32, #tpu.memory_space<vmem>> -> memref<1x128x128xf32, #tpu.memory_space<vmem>>
        %gather3A_1065 = tpu.memref_squeeze %gather3A_1064 : memref<1x128x128xf32, #tpu.memory_space<vmem>> -> memref<128x128xf32, #tpu.memory_space<vmem>>
        %gather3A_1066 = tpu.vector_load_idx %gather3A_1065[%add3A_173, %and3A_1061] : memref<128x128xf32, #tpu.memory_space<vmem>>[vector<16xi32>, vector<16xi32>], vector<16xf32>,
        %add3A_1067 = arith.constant 61 : i32
        %add3A_1068 = vector.broadcast %add3A_1067 : i32 to vector<16xi32>
        %add3A_1069 = arith.addi %iota3A, %add3A_1068 : vector<16xi32>
        %and3A_1070 = arith.constant 63 : i32
        %and3A_1071 = vector.broadcast %and3A_1070 : i32 to vector<16xi32>
        %and3A_1072 = arith.andi %add3A_1069, %and3A_1071 : vector<16xi32>
        %gather3A_1073 = arith.constant 0 : i32
        %gather3A_1074 = arith.constant 0 : i32
        %gather3A_1075 = tpu.memref_slice %arg6[%and3A_91, %gather3A_1073, %gather3A_1074] : memref<4x128x128xf32, #tpu.memory_space<vmem>> -> memref<1x128x128xf32, #tpu.memory_space<vmem>>
        %gather3A_1076 = tpu.memref_squeeze %gather3A_1075 : memref<1x128x128xf32, #tpu.memory_space<vmem>> -> memref<128x128xf32, #tpu.memory_space<vmem>>
        %gather3A_1077 = tpu.vector_load_idx %gather3A_1076[%add3A_173, %and3A_1072] : memref<128x128xf32, #tpu.memory_space<vmem>>[vector<16xi32>, vector<16xi32>], vector<16xf32>,
        %add3A_1078 = arith.constant 62 : i32
        %add3A_1079 = vector.broadcast %add3A_1078 : i32 to vector<16xi32>
        %add3A_1080 = arith.addi %iota3A, %add3A_1079 : vector<16xi32>
        %and3A_1081 = arith.constant 63 : i32
        %and3A_1082 = vector.broadcast %and3A_1081 : i32 to vector<16xi32>
        %and3A_1083 = arith.andi %add3A_1080, %and3A_1082 : vector<16xi32>
        %gather3A_1084 = arith.constant 0 : i32
        %gather3A_1085 = arith.constant 0 : i32
        %gather3A_1086 = tpu.memref_slice %arg6[%and3A_91, %gather3A_1084, %gather3A_1085] : memref<4x128x128xf32, #tpu.memory_space<vmem>> -> memref<1x128x128xf32, #tpu.memory_space<vmem>>
        %gather3A_1087 = tpu.memref_squeeze %gather3A_1086 : memref<1x128x128xf32, #tpu.memory_space<vmem>> -> memref<128x128xf32, #tpu.memory_space<vmem>>
        %gather3A_1088 = tpu.vector_load_idx %gather3A_1087[%add3A_173, %and3A_1083] : memref<128x128xf32, #tpu.memory_space<vmem>>[vector<16xi32>, vector<16xi32>], vector<16xf32>,
        %add3A_1089 = arith.constant 63 : i32
        %add3A_1090 = vector.broadcast %add3A_1089 : i32 to vector<16xi32>
        %add3A_1091 = arith.addi %iota3A, %add3A_1090 : vector<16xi32>
        %and3A_1092 = arith.constant 63 : i32
        %and3A_1093 = vector.broadcast %and3A_1092 : i32 to vector<16xi32>
        %and3A_1094 = arith.andi %add3A_1091, %and3A_1093 : vector<16xi32>
        %gather3A_1095 = arith.constant 0 : i32
        %gather3A_1096 = arith.constant 0 : i32
        %gather3A_1097 = tpu.memref_slice %arg6[%and3A_91, %gather3A_1095, %gather3A_1096] : memref<4x128x128xf32, #tpu.memory_space<vmem>> -> memref<1x128x128xf32, #tpu.memory_space<vmem>>
        %gather3A_1098 = tpu.memref_squeeze %gather3A_1097 : memref<1x128x128xf32, #tpu.memory_space<vmem>> -> memref<128x128xf32, #tpu.memory_space<vmem>>
        %gather3A_1099 = tpu.vector_load_idx %gather3A_1098[%add3A_173, %and3A_1094] : memref<128x128xf32, #tpu.memory_space<vmem>>[vector<16xi32>, vector<16xi32>], vector<16xf32>,
        %scatter3A_1100 = arith.constant 0 : i32
        %scatter3A_1101 = arith.constant 0 : i32
        %scatter3A_1102 = tpu.memref_slice %arg7[%and3A_93, %scatter3A_1100, %scatter3A_1101] : memref<2x64x128xf32, #tpu.memory_space<vmem>> -> memref<1x64x128xf32, #tpu.memory_space<vmem>>
        %scatter3A_1103 = tpu.memref_squeeze %scatter3A_1102 : memref<1x64x128xf32, #tpu.memory_space<vmem>> -> memref<64x128xf32, #tpu.memory_space<vmem>>
        tpu.vector_store_idx %scatter3A_1103[%and3A_1017, %add3A_173], %gather3A_1022 : memref<64x128xf32, #tpu.memory_space<vmem>>[vector<16xi32>, vector<16xi32>], vector<16xf32>,
        %scatter3A_1104 = arith.constant 0 : i32
        %scatter3A_1105 = arith.constant 0 : i32
        %scatter3A_1106 = tpu.memref_slice %arg7[%and3A_93, %scatter3A_1104, %scatter3A_1105] : memref<2x64x128xf32, #tpu.memory_space<vmem>> -> memref<1x64x128xf32, #tpu.memory_space<vmem>>
        %scatter3A_1107 = tpu.memref_squeeze %scatter3A_1106 : memref<1x64x128xf32, #tpu.memory_space<vmem>> -> memref<64x128xf32, #tpu.memory_space<vmem>>
        tpu.vector_store_idx %scatter3A_1107[%and3A_1028, %add3A_173], %gather3A_1033 : memref<64x128xf32, #tpu.memory_space<vmem>>[vector<16xi32>, vector<16xi32>], vector<16xf32>,
        %scatter3A_1108 = arith.constant 0 : i32
        %scatter3A_1109 = arith.constant 0 : i32
        %scatter3A_1110 = tpu.memref_slice %arg7[%and3A_93, %scatter3A_1108, %scatter3A_1109] : memref<2x64x128xf32, #tpu.memory_space<vmem>> -> memref<1x64x128xf32, #tpu.memory_space<vmem>>
        %scatter3A_1111 = tpu.memref_squeeze %scatter3A_1110 : memref<1x64x128xf32, #tpu.memory_space<vmem>> -> memref<64x128xf32, #tpu.memory_space<vmem>>
        tpu.vector_store_idx %scatter3A_1111[%and3A_1039, %add3A_173], %gather3A_1044 : memref<64x128xf32, #tpu.memory_space<vmem>>[vector<16xi32>, vector<16xi32>], vector<16xf32>,
        %scatter3A_1112 = arith.constant 0 : i32
        %scatter3A_1113 = arith.constant 0 : i32
        %scatter3A_1114 = tpu.memref_slice %arg7[%and3A_93, %scatter3A_1112, %scatter3A_1113] : memref<2x64x128xf32, #tpu.memory_space<vmem>> -> memref<1x64x128xf32, #tpu.memory_space<vmem>>
        %scatter3A_1115 = tpu.memref_squeeze %scatter3A_1114 : memref<1x64x128xf32, #tpu.memory_space<vmem>> -> memref<64x128xf32, #tpu.memory_space<vmem>>
        tpu.vector_store_idx %scatter3A_1115[%and3A_1050, %add3A_173], %gather3A_1055 : memref<64x128xf32, #tpu.memory_space<vmem>>[vector<16xi32>, vector<16xi32>], vector<16xf32>,
        %scatter3A_1116 = arith.constant 0 : i32
        %scatter3A_1117 = arith.constant 0 : i32
        %scatter3A_1118 = tpu.memref_slice %arg7[%and3A_93, %scatter3A_1116, %scatter3A_1117] : memref<2x64x128xf32, #tpu.memory_space<vmem>> -> memref<1x64x128xf32, #tpu.memory_space<vmem>>
        %scatter3A_1119 = tpu.memref_squeeze %scatter3A_1118 : memref<1x64x128xf32, #tpu.memory_space<vmem>> -> memref<64x128xf32, #tpu.memory_space<vmem>>
        tpu.vector_store_idx %scatter3A_1119[%and3A_1061, %add3A_173], %gather3A_1066 : memref<64x128xf32, #tpu.memory_space<vmem>>[vector<16xi32>, vector<16xi32>], vector<16xf32>,
        %scatter3A_1120 = arith.constant 0 : i32
        %scatter3A_1121 = arith.constant 0 : i32
        %scatter3A_1122 = tpu.memref_slice %arg7[%and3A_93, %scatter3A_1120, %scatter3A_1121] : memref<2x64x128xf32, #tpu.memory_space<vmem>> -> memref<1x64x128xf32, #tpu.memory_space<vmem>>
        %scatter3A_1123 = tpu.memref_squeeze %scatter3A_1122 : memref<1x64x128xf32, #tpu.memory_space<vmem>> -> memref<64x128xf32, #tpu.memory_space<vmem>>
        tpu.vector_store_idx %scatter3A_1123[%and3A_1072, %add3A_173], %gather3A_1077 : memref<64x128xf32, #tpu.memory_space<vmem>>[vector<16xi32>, vector<16xi32>], vector<16xf32>,
        %scatter3A_1124 = arith.constant 0 : i32
        %scatter3A_1125 = arith.constant 0 : i32
        %scatter3A_1126 = tpu.memref_slice %arg7[%and3A_93, %scatter3A_1124, %scatter3A_1125] : memref<2x64x128xf32, #tpu.memory_space<vmem>> -> memref<1x64x128xf32, #tpu.memory_space<vmem>>
        %scatter3A_1127 = tpu.memref_squeeze %scatter3A_1126 : memref<1x64x128xf32, #tpu.memory_space<vmem>> -> memref<64x128xf32, #tpu.memory_space<vmem>>
        tpu.vector_store_idx %scatter3A_1127[%and3A_1083, %add3A_173], %gather3A_1088 : memref<64x128xf32, #tpu.memory_space<vmem>>[vector<16xi32>, vector<16xi32>], vector<16xf32>,
        %scatter3A_1128 = arith.constant 0 : i32
        %scatter3A_1129 = arith.constant 0 : i32
        %scatter3A_1130 = tpu.memref_slice %arg7[%and3A_93, %scatter3A_1128, %scatter3A_1129] : memref<2x64x128xf32, #tpu.memory_space<vmem>> -> memref<1x64x128xf32, #tpu.memory_space<vmem>>
        %scatter3A_1131 = tpu.memref_squeeze %scatter3A_1130 : memref<1x64x128xf32, #tpu.memory_space<vmem>> -> memref<64x128xf32, #tpu.memory_space<vmem>>
        tpu.vector_store_idx %scatter3A_1131[%and3A_1094, %add3A_173], %gather3A_1099 : memref<64x128xf32, #tpu.memory_space<vmem>>[vector<16xi32>, vector<16xi32>], vector<16xf32>,
      }
      %scan3A_113 = arith.constant 8 : i32
      %add3A_114 = arith.addi %mul3A_2, %scan3A_90 : i32
      %jit3A = arith.constant 128 : i32
      %div3A = arith.divsi %add3A_114, %jit3A : i32
      %sign3A = arith.constant 0 : i32
      %sign3A_115 = arith.cmpi sgt, %add3A_114, %sign3A : i32
      %sign3A_116 = arith.extui %sign3A_115 : i1 to i32
      %sign3A_117 = arith.constant 0 : i32
      %sign3A_118 = arith.cmpi slt, %add3A_114, %sign3A_117 : i32
      %sign3A_119 = arith.extui %sign3A_118 : i1 to i32
      %sign3A_120 = arith.subi %sign3A_116, %sign3A_119 : i32
      %sign3A_121 = arith.constant 0 : i32
      %sign3A_122 = arith.cmpi sgt, %jit3A, %sign3A_121 : i32
      %sign3A_123 = arith.extui %sign3A_122 : i1 to i32
      %sign3A_124 = arith.constant 0 : i32
      %sign3A_125 = arith.cmpi slt, %jit3A, %sign3A_124 : i32
      %sign3A_126 = arith.extui %sign3A_125 : i1 to i32
      %sign3A_127 = arith.subi %sign3A_123, %sign3A_126 : i32
      %ne3A = arith.cmpi ne, %sign3A_120, %sign3A_127 : i32
      %rem3A = arith.remsi %add3A_114, %jit3A : i32
      %ne3A_128 = arith.constant 0 : i32
      %ne3A_129 = arith.cmpi ne, %rem3A, %ne3A_128 : i32
      %and3A_130 = arith.andi %ne3A, %ne3A_129 : i1
      %sub3A = arith.constant 1 : i32
      %sub3A_131 = arith.subi %div3A, %sub3A : i32
      %select_n3A = arith.select %and3A_130, %sub3A_131, %div3A : i32
      %jit3A_132 = arith.constant 128 : i32
      %eq3A = arith.constant 0 : i32
      %eq3A_133 = arith.cmpi eq, %jit3A_132, %eq3A : i32
      %jit3A_134 = arith.constant 1 : i32
      %select_n3A_135 = arith.select %eq3A_133, %jit3A_134, %jit3A_132 : i32
      %rem3A_136 = arith.remsi %add3A_114, %select_n3A_135 : i32
      %ne3A_137 = arith.constant 0 : i32
      %ne3A_138 = arith.cmpi ne, %rem3A_136, %ne3A_137 : i32
      %lt3A = arith.constant 0 : i32
      %lt3A_139 = arith.cmpi slt, %rem3A_136, %lt3A : i32
      %lt3A_140 = arith.constant 0 : i32
      %lt3A_141 = arith.cmpi slt, %select_n3A_135, %lt3A_140 : i32
      %ne3A_142 = arith.xori %lt3A_139, %lt3A_141 : i1
      %and3A_143 = arith.andi %ne3A_142, %ne3A_138 : i1
      %add3A_144 = arith.addi %rem3A_136, %select_n3A_135 : i32
      %select_n3A_145 = arith.select %and3A_143, %add3A_144, %rem3A_136 : i32
      %mul3A_146 = arith.constant 128 : i32
      %mul3A_147 = arith.muli %select_n3A_145, %mul3A_146 : i32
      %dma_start3A_148 = arith.constant 0 : i32
      %dma_start3A_149 = arith.constant 0 : i32
      %dma_start3A_150 = tpu.memref_slice %arg7[%and3A_93, %dma_start3A_148, %dma_start3A_149] : memref<2x64x128xf32, #tpu.memory_space<vmem>> -> memref<1x64x128xf32, #tpu.memory_space<vmem>>
      %dma_start3A_151 = tpu.memref_squeeze %dma_start3A_150 : memref<1x64x128xf32, #tpu.memory_space<vmem>> -> memref<64x128xf32, #tpu.memory_space<vmem>>
      %dma_start3A_152 = arith.constant 0 : i32
      %dma_start3A_153 = tpu.memref_slice %arg4[%select_n3A, %dma_start3A_152, %mul3A_147] : memref<50x64x16384xf32, #tpu.memory_space<hbm>> -> memref<1x64x128xf32, #tpu.memory_space<hbm>>
      %dma_start3A_154 = tpu.memref_squeeze %dma_start3A_153 : memref<1x64x128xf32, #tpu.memory_space<hbm>> -> memref<64x128xf32, #tpu.memory_space<hbm>>
      %dma_start3A_155 = arith.constant 0 : i32
      %dma_start3A_156 = tpu.memref_slice %arg4[%select_n3A, %dma_start3A_155, %mul3A_147] : memref<50x64x16384xf32, #tpu.memory_space<hbm>> -> memref<1x64x128xf32, #tpu.memory_space<hbm>>
      %dma_start3A_157 = tpu.memref_squeeze %dma_start3A_156 : memref<1x64x128xf32, #tpu.memory_space<hbm>> -> memref<64x128xf32, #tpu.memory_space<hbm>>
      %dma_start3A_158 = arith.constant 0 : i32
      %dma_start3A_159 = arith.constant 0 : i32
      %dma_start3A_160 = tpu.memref_slice %arg7[%and3A_93, %dma_start3A_158, %dma_start3A_159] : memref<2x64x128xf32, #tpu.memory_space<vmem>> -> memref<1x64x128xf32, #tpu.memory_space<vmem>>
      %dma_start3A_161 = tpu.memref_squeeze %dma_start3A_160 : memref<1x64x128xf32, #tpu.memory_space<vmem>> -> memref<64x128xf32, #tpu.memory_space<vmem>>
      tpu.enqueue_dma source(%dma_start3A_161 : memref<64x128xf32, #tpu.memory_space<vmem>>) target(%dma_start3A_157 : memref<64x128xf32, #tpu.memory_space<hbm>>) target_semaphore(%arg9 : memref<!tpu.dma_semaphore, #tpu.memory_space<semaphore_mem>>)
      %add3A_162 = arith.constant 4 : i32
      %add3A_163 = arith.addi %scan3A_90, %add3A_162 : i32
      %lt3A_164 = arith.constant 200 : i32
      %lt3A_165 = arith.cmpi slt, %add3A_163, %lt3A_164 : i32
      %convert_element_type3A_166 = arith.extui %lt3A_165 : i1 to i32
      %cond3A_167 = arith.constant 0 : i32
      %cond3A_168 = arith.cmpi ne, %convert_element_type3A_166, %cond3A_167 : i32
      scf.if %cond3A_168 {
        %add3A_169 = arith.constant 4 : i32
        %add3A_170 = arith.addi %scan3A_90, %add3A_169 : i32
        %dma_start3A_171 = arith.constant 0 : i32
        %dma_start3A_172 = arith.constant 0 : i32
        %dma_start3A_173 = tpu.memref_slice %arg6[%and3A_91, %dma_start3A_171, %dma_start3A_172] : memref<4x128x128xf32, #tpu.memory_space<vmem>> -> memref<1x128x128xf32, #tpu.memory_space<vmem>>
        %dma_start3A_174 = tpu.memref_squeeze %dma_start3A_173 : memref<1x128x128xf32, #tpu.memory_space<vmem>> -> memref<128x128xf32, #tpu.memory_space<vmem>>
        %dma_start3A_175 = arith.constant 0 : i32
        %dma_start3A_176 = tpu.memref_slice %arg5[%add3A_170, %dma_start3A_175] : memref<200x128xi32, #tpu.memory_space<vmem>> -> memref<1x128xi32, #tpu.memory_space<vmem>>
        %dma_start3A_177 = tpu.memref_squeeze %dma_start3A_176 : memref<1x128xi32, #tpu.memory_space<vmem>> -> memref<128xi32, #tpu.memory_space<vmem>>
        %dma_start3A_178 = arith.constant 0 : i32
        %dma_start3A_179 = arith.constant 0 : i32
        %dma_start3A_180 = tpu.memref_slice %arg3[%dma_start3A_178, %dma_start3A_179] : memref<1000000x128xf32, #tpu.memory_space<hbm>> -> memref<1000000x128xf32, #tpu.memory_space<hbm>>
        tpu.enqueue_indirect_dma source(%dma_start3A_180 : memref<1000000x128xf32, #tpu.memory_space<hbm>>) target(%dma_start3A_174 : memref<128x128xf32, #tpu.memory_space<vmem>>) offsets(%dma_start3A_177 : memref<128xi32, #tpu.memory_space<vmem>>) semaphore(%arg8 : memref<!tpu.dma_semaphore, #tpu.memory_space<semaphore_mem>>)
      } else {
      }
    }
    %scan3A_54 = arith.constant 200 : i32
    %dma_wait3A = arith.constant 0 : i32
    %dma_wait3A_55 = arith.constant 0 : i32
    %dma_wait3A_56 = arith.constant 0 : i32
    %dma_wait3A_57 = arith.constant 0 : i32
    %dma_wait3A_58 = tpu.memref_slice %arg7[%dma_wait3A, %dma_wait3A_56, %dma_wait3A_57] : memref<2x64x128xf32, #tpu.memory_space<vmem>> -> memref<1x64x128xf32, #tpu.memory_space<vmem>>
    %dma_wait3A_59 = tpu.memref_squeeze %dma_wait3A_58 : memref<1x64x128xf32, #tpu.memory_space<vmem>> -> memref<64x128xf32, #tpu.memory_space<vmem>>
    %dma_wait3A_60 = arith.constant 0 : i32
    %dma_wait3A_61 = arith.constant 0 : i32
    %dma_wait3A_62 = tpu.memref_slice %arg4[%dma_wait3A_55, %dma_wait3A_60, %dma_wait3A_61] : memref<50x64x16384xf32, #tpu.memory_space<hbm>> -> memref<1x64x128xf32, #tpu.memory_space<hbm>>
    %dma_wait3A_63 = tpu.memref_squeeze %dma_wait3A_62 : memref<1x64x128xf32, #tpu.memory_space<hbm>> -> memref<64x128xf32, #tpu.memory_space<hbm>>
    %dma_wait3A_64 = arith.constant 0 : i32
    %dma_wait3A_65 = arith.constant 0 : i32
    %dma_wait3A_66 = tpu.memref_slice %arg4[%dma_wait3A_55, %dma_wait3A_64, %dma_wait3A_65] : memref<50x64x16384xf32, #tpu.memory_space<hbm>> -> memref<1x64x128xf32, #tpu.memory_space<hbm>>
    %dma_wait3A_67 = tpu.memref_squeeze %dma_wait3A_66 : memref<1x64x128xf32, #tpu.memory_space<hbm>> -> memref<64x128xf32, #tpu.memory_space<hbm>>
    %dma_wait3A_68 = arith.constant 0 : i32
    %dma_wait3A_69 = arith.constant 0 : i32
    %dma_wait3A_70 = tpu.memref_slice %arg7[%dma_wait3A, %dma_wait3A_68, %dma_wait3A_69] : memref<2x64x128xf32, #tpu.memory_space<vmem>> -> memref<1x64x128xf32, #tpu.memory_space<vmem>>
    %dma_wait3A_71 = tpu.memref_squeeze %dma_wait3A_70 : memref<1x64x128xf32, #tpu.memory_space<vmem>> -> memref<64x128xf32, #tpu.memory_space<vmem>>
    tpu.wait_dma2 semaphore(%arg9 : memref<!tpu.dma_semaphore, #tpu.memory_space<semaphore_mem>>) src(%dma_wait3A_71 : memref<64x128xf32, #tpu.memory_space<vmem>>) dst(%dma_wait3A_67 : memref<64x128xf32, #tpu.memory_space<hbm>>)
    %dma_wait3A_72 = arith.constant 0 : i32
    %dma_wait3A_73 = arith.constant 0 : i32
    %dma_wait3A_74 = arith.constant 0 : i32
    %dma_wait3A_75 = arith.constant 0 : i32
    %dma_wait3A_76 = tpu.memref_slice %arg7[%dma_wait3A_72, %dma_wait3A_74, %dma_wait3A_75] : memref<2x64x128xf32, #tpu.memory_space<vmem>> -> memref<1x64x128xf32, #tpu.memory_space<vmem>>
    %dma_wait3A_77 = tpu.memref_squeeze %dma_wait3A_76 : memref<1x64x128xf32, #tpu.memory_space<vmem>> -> memref<64x128xf32, #tpu.memory_space<vmem>>
    %dma_wait3A_78 = arith.constant 0 : i32
    %dma_wait3A_79 = arith.constant 0 : i32
    %dma_wait3A_80 = tpu.memref_slice %arg4[%dma_wait3A_73, %dma_wait3A_78, %dma_wait3A_79] : memref<50x64x16384xf32, #tpu.memory_space<hbm>> -> memref<1x64x128xf32, #tpu.memory_space<hbm>>
    %dma_wait3A_81 = tpu.memref_squeeze %dma_wait3A_80 : memref<1x64x128xf32, #tpu.memory_space<hbm>> -> memref<64x128xf32, #tpu.memory_space<hbm>>
    %dma_wait3A_82 = arith.constant 0 : i32
    %dma_wait3A_83 = arith.constant 0 : i32
    %dma_wait3A_84 = tpu.memref_slice %arg4[%dma_wait3A_73, %dma_wait3A_82, %dma_wait3A_83] : memref<50x64x16384xf32, #tpu.memory_space<hbm>> -> memref<1x64x128xf32, #tpu.memory_space<hbm>>
    %dma_wait3A_85 = tpu.memref_squeeze %dma_wait3A_84 : memref<1x64x128xf32, #tpu.memory_space<hbm>> -> memref<64x128xf32, #tpu.memory_space<hbm>>
    %dma_wait3A_86 = arith.constant 0 : i32
    %dma_wait3A_87 = arith.constant 0 : i32
    %dma_wait3A_88 = tpu.memref_slice %arg7[%dma_wait3A_72, %dma_wait3A_86, %dma_wait3A_87] : memref<2x64x128xf32, #tpu.memory_space<vmem>> -> memref<1x64x128xf32, #tpu.memory_space<vmem>>
    %dma_wait3A_89 = tpu.memref_squeeze %dma_wait3A_88 : memref<1x64x128xf32, #tpu.memory_space<vmem>> -> memref<64x128xf32, #tpu.memory_space<vmem>>
    tpu.wait_dma2 semaphore(%arg9 : memref<!tpu.dma_semaphore, #tpu.memory_space<semaphore_mem>>) src(%dma_wait3A_89 : memref<64x128xf32, #tpu.memory_space<vmem>>) dst(%dma_wait3A_85 : memref<64x128xf32, #tpu.memory_space<hbm>>)
    return
  }
}

</mosaic_0001>

<sc_bundles>
// kernel: _sc_gather_t.3.cloned.1.call-start
scs
__scs_entry_jumppad:
0x0: {  	(pc) =	sbr.rel $0x88, $3  }
0x1: {  	(tag) =	ssettag $0x0;
	lr =	simm.s32 $0x1  }
0x2: {  	[smem:$0x3F9F] =	sst lr;
	_ =	strace $0xD0000000  }
0x3: {  	_ = 	snop  }
0x4: {  	_ = 	snop  }
0x5: {  	_ = 	snop  }
0x6: {  	_ = 	snop  }
0x7: {  	_ = 	snop  }
__scs_overlays_trampoline_lowered:
0x8: {  	[smem:$0x3FAE] =	sst s0  }
0x9: {  	[smem:$0x3FAF] =	sst s1  }
0xa: {  	[smem:$0x3FB0] =	sst s2  }
0xb: {  	[smem:$0x3FB1] =	sst s3  }
0xc: {  	[smem:$0x3FB2] =	sst s4  }
0xd: {  	[smem:$0x3FB3] =	sst s5  }
0xe: {  	[smem:$0x3FB4] =	sst s6  }
0xf: {  	[smem:$0x3FB5] =	sst s7  }
0x10: {  	[smem:$0x3FB6] =	sst s8  }
0x11: {  	[smem:$0x3FB7] =	sst s9;
	s0 =	simm.s32 @!p0 $0x0  }
0x12: {  	s1 =	sld [smem:$0x3F9D];
	s0 =	simm.s32 @p0 $0x1  }
0x13: {  	[smem:$0x3FB8] =	sst s0;
	s0 =	simm.s32 @!p1 $0x0  }
0x14: {  	s2 =	sld [smem:$0x3F9C];
	s0 =	simm.s32 @p1 $0x1  }
0x15: {  	[smem:$0x3FB9] =	sst s0;
	s0 =	simm.s32 @!p2 $0x0  }
0x16: {  	s3 =	sld [smem:$0x3FDB];
	s0 =	simm.s32 @p2 $0x1  }
0x17: {  	s4 =	simm.s32 $0x1BF5;
	[smem:$0x3FBB] =	sst s0  }
0x18: {  	s0 =	sld [smem:$0x3F9E];
	_ =	swait.ge [sflag:s4], $0x0  }
0x19: {  	s7 =	sld [smem:$0x3F9F]  }
0x1a: {  	s8 =	sadd.s32 $0xFFFFE003, lr  }
0x1b: {  	s9 =	sadd.s32 $0xFFFFFEF7, lr;
	s5 =	simm.s32 $0xFFFFFFFF;
	p2 =	slt.u32 s8, $0xFFFFF086  }
0x1c: {  	p1 =	slt.u32 s9, $0xF7A;
	s5 =	simm.s32 @!p2 $0x0  }
0x1d: {  	s5 =	simm.s32 @p1 $0x1;
	p0 =	seq.s32 s7, s2  }
0x1e: {  	s7 =	smul.u32 @!p0 $0xF7A, s2;
	p2 =	seq.s32 @!p0 s5, $0x0  }
0x1f: {  	s9 =	smul.u32 $0xF7A, s1;
	s8 =	simm.s32 @!p0 $0x1BF5;
	p2 =	por !p2, p0  }
0x20: {  	[sflag:s8] =	ssyncset.s32 @!p0 $0xFFFFF086;
	s6 =	sadd.s32 @!p0 s3, s7;
	s7 =	simm.s32 @!p0 $0x108  }
0x21: {  	s3 =	sadd.s32 s3, s9;
	s6 =	sadd.s32 @!p0 $0x88, s6;
	s7 =	simm.s32 @p2 $0x1082  }
0x22: {  	[simem:s7], [sflag:s8] =	dma.local @!p0 [hbm:s6], $0xF7A  }
0x23: {  	s9 =	sor.u32 $0xD0000000, s2;
	s6 =	simm.s32 $0x108;
	_ =	swait.ge @!p0 [sflag:s8], $0x0  }
0x24: {  	s3 =	sadd.s32 $0x88, s3;
	s6 =	simm.s32 @!p1 $0x1082;
	[sflag:s4] =	ssyncset.s32 $0xFFFFF086  }
0x25: {  	[simem:s6], [sflag:s4] =	dma.local [hbm:s3], $0xF7A  }
0x26: {  	[smem:$0x3F9F] =	sst s1;
	(tag) =	ssettag s2;
	_ =	strace s9  }
0x27: {  	s1 =	sld [smem:$0x3FAF]  }
0x28: {  	s2 =	sld [smem:$0x3FB0]  }
0x29: {  	s4 =	sld [smem:$0x3FB2]  }
0x2a: {  	p0 =	seq.s32 s5, $0x0;
	s5 =	sld [smem:$0x3FB3]  }
0x2b: {  	s6 =	sld [smem:$0x3FB4]  }
0x2c: {  	s7 =	sld [smem:$0x3FB5]  }
0x2d: {  	s3 =	simm.s32 $0x108;
	s8 =	sld [smem:$0x3FB6]  }
0x2e: {  	s3 =	simm.s32 @!p0 $0x1082;
	s9 =	sld [smem:$0x3FB7]  }
0x2f: {  	lr =	sadd.s32 s0, s3;
	s0 =	sld [smem:$0x3FAE]  }
0x30: {  	s3 =	sld [smem:$0x3FB1]  }
0x31: {  	[smem:$0x3FBA] =	sst s10  }
0x32: {  	s10 =	sld [smem:$0x3FB8];
	_ =	sdelay $0x3  }
0x33: {  	p0 =	seq.s32 s10, $0x1;
	s10 =	sld [smem:$0x3FBA];
	_ =	sdelay $0x3  }
0x34: {  	[smem:$0x3FBA] =	sst s10  }
0x35: {  	s10 =	sld [smem:$0x3FB9];
	_ =	sdelay $0x3  }
0x36: {  	p1 =	seq.s32 s10, $0x1;
	s10 =	sld [smem:$0x3FBA];
	_ =	sdelay $0x3  }
0x37: {  	[smem:$0x3FBA] =	sst s10  }
0x38: {  	s10 =	sld [smem:$0x3FBB]  }
0x39: {  	_ = 	snop;
	(pc) =	sbr.ind lr, $3  }
0x3a: {  	_ = 	snop  }
0x3b: {  	_ = 	snop  }
0x3c: {  	p2 =	seq.s32 s10, $0x1;
	s10 =	sld [smem:$0x3FBA]  }
0x3d: {  	_ =	shalt  }
0x3e: {  	_ =	shalt  }
0x3f: {  	_ =	shalt  }
0x40: {  	_ =	shalt  }
0x41: {  	_ =	shalt  }
0x42: {  	_ =	shalt  }
0x43: {  	_ =	shalt  }
0x44: {  	_ =	shalt  }
0x45: {  	_ =	shalt  }
0x46: {  	_ =	shalt  }
0x47: {  	_ =	shalt  }
0x48: {  	_ =	shalt  }
0x49: {  	_ =	shalt  }
0x4a: {  	_ =	shalt  }
0x4b: {  	_ =	shalt  }
0x4c: {  	_ =	shalt  }
0x4d: {  	_ =	shalt  }
0x4e: {  	_ =	shalt  }
0x4f: {  	_ =	shalt  }
0x50: {  	_ =	shalt  }
0x51: {  	_ =	shalt  }
0x52: {  	_ =	shalt  }
0x53: {  	_ =	shalt  }
0x54: {  	_ =	shalt  }
0x55: {  	_ =	shalt  }
0x56: {  	_ =	shalt  }
0x57: {  	_ =	shalt  }
0x58: {  	_ =	shalt  }
0x59: {  	_ =	shalt  }
0x5a: {  	_ =	shalt  }
0x5b: {  	_ =	shalt  }
0x5c: {  	_ =	shalt  }
0x5d: {  	_ =	shalt  }
0x5e: {  	_ =	shalt  }
0x5f: {  	_ =	shalt  }
0x60: {  	_ =	shalt  }
0x61: {  	_ =	shalt  }
0x62: {  	_ =	shalt  }
0x63: {  	_ =	shalt  }
0x64: {  	_ =	shalt  }
0x65: {  	_ =	shalt  }
0x66: {  	_ =	shalt  }
0x67: {  	_ =	shalt  }
0x68: {  	_ =	shalt  }
0x69: {  	_ =	shalt  }
0x6a: {  	_ =	shalt  }
0x6b: {  	_ =	shalt  }
0x6c: {  	_ =	shalt  }
0x6d: {  	_ =	shalt  }
0x6e: {  	_ =	shalt  }
0x6f: {  	_ =	shalt  }
0x70: {  	_ =	shalt  }
0x71: {  	_ =	shalt  }
0x72: {  	_ =	shalt  }
0x73: {  	_ =	shalt  }
0x74: {  	_ =	shalt  }
0x75: {  	_ =	shalt  }
0x76: {  	_ =	shalt  }
0x77: {  	_ =	shalt  }
0x78: {  	_ =	shalt  }
0x79: {  	_ =	shalt  }
0x7a: {  	_ =	shalt  }
0x7b: {  	_ =	shalt  }
0x7c: {  	_ =	shalt  }
0x7d: {  	_ =	shalt  }
0x7e: {  	_ =	shalt  }
0x7f: {  	_ =	shalt  }
0x80: {  	_ =	shalt  }
0x81: {  	_ =	shalt  }
0x82: {  	_ =	shalt  }
0x83: {  	_ =	shalt  }
0x84: {  	_ =	shalt  }
0x85: {  	_ =	shalt  }
0x86: {  	_ =	shalt  }
0x87: {  	_ =	shalt  }
.Lfunc_end0:
.L_simem_size_0:
called_computation_lowered:
.L_overlay_start_0:
0x88: {  	s2 =	sld [smem:$0x3FD9]  }
0x89: {  	s3 =	sld [smem:$0x3FFE];
	_ =	sdelay $0x1  }
0x8a: {  	s1 =	srdreg.scid  }
0x8b: {  	s0 =	sand.u32 $0x1, s1  }
0x8c: {  	s18 =	sshll.u32 s0, $0xA;
	s2 =	sadd.s32 s3, s2  }
0x8d: {  	s2 =	sadd.s32 s2, s18  }
0x8e: {  	[smem:$0x3FC6] =	sst s2  }
0x8f: {  	_ = 	snop  }
0x90: {  	s2 =	sld [smem:$0x3FC9]  }
0x91: {  	s19 =	sld [smem:$0x3FC8]  }
0x92: {  	s4 =	sld [smem:$0x3FD0];
	(tm) =	ssettm $0x1  }
0x93: {  	s5 =	sld [smem:$0x3FFB];
	_ =	sdelay $0x3  }
0x94: {  	_ =	strace s5  }
0x95: {  	s5 =	sld [smem:$0x3FFC];
	_ =	sdelay $0x3  }
0x96: {  	_ =	strace s5  }
0x97: {  	s5 =	sld [smem:$0x3FFD];
	_ =	sdelay $0x3  }
0x98: {  	_ =	strace s5  }
0x99: {  	_ =	strace $0x8FFFFFFF  }
0x9a: {  	s20 =	sld [smem:$0x3FDB];
	_ =	sdelay $0x1  }
0x9b: {  	s6 =	simm.s32 $_scs_section_size  }
0x9c: {  	s7 =	simm.s32 $_size__tile_overlayer_lowered;
	s8 =	simm.s32 $_tile_overlayer_lowered  }
0x9d: {  	s23 =	simm.s32 $0x1BFF;
	s22 =	sshll.u32 s8, $0x1;
	s5 =	sadd.s32 s6, s20  }
0x9e: {  	s9 =	simm.s32 $0x0;
	s21 =	sshll.u32 s7, $0x1;
	s7 =	sadd.s32 s22, s5  }
0x9f: {  	[timem:s9], [sflag:s23] =	dma.local [hbm:s7], s21  }
0xa0: {  	_ =	swait.ge [sflag:s23], s21  }
0xa1: {  	s6 =	ssub.s32 $0x0, s21;
	[sflag:s23] =	ssyncset.done $0x0  }
0xa2: {  	[sflag:s23] =	ssyncadd.s32 s6;
	_ =	sdelay $0x1  }
0xa3: {  	s24 =	simm.s32 $0x1B8B  }
0xa4: {  	_ =	swait.ge [sflag:s24], $0x1  }
0xa5: {  	[sflag:s24] =	ssyncset.done $0x0  }
0xa6: {  	s25 =	simm.s32 $0x1B8E;
	[sflag:s24] =	ssyncadd.s32 $0xFFFFFFFF  }
0xa7: {  	s26 =	simm.s32 $execute0_lowered;
	[smem:$0x3FD2] =	sst s25  }
0xa8: {  	s6 =	sshll.u32 s26, $0x1;
	_ =	strace $0x80000046;
	[dreg:$0x1] =	wrdreg $0xFFFFFFFF  }
0xa9: {  	s28 =	simm.s32 $_size_execute0_lowered;
	s5 =	sadd.s32 s5, s6;
	[dreg:$0x0] =	wrdreg $0x0  }
0xaa: {  	s6 =	sshll.u32 s28, $0x1;
	[dreg:$0x2] =	wrdreg s5  }
0xab: {  	[dreg:$0x3] =	wrdreg s6  }
0xac: {  	[dreg:$0x4] =	wrdreg $0xC0  }
0xad: {  	_ =	task [dreg:s9], $0x5FFFF  }
0xae: {  	[dreg:$0x1] =	wrdreg $0xFFFFFFFF  }
0xaf: {  	[dreg:$0x0] =	wrdreg $0x60  }
0xb0: {  	[dreg:$0x2] =	wrdreg s2  }
0xb1: {  	[dreg:$0x3] =	wrdreg s19  }
0xb2: {  	[dreg:$0x4] =	wrdreg s4  }
0xb3: {  	[dreg:$0x5] =	wrdreg $0x9  }
0xb4: {  	_ =	task.clear_ibuf [dreg:s9], $0x6FFFF;
	_ =	strace $0x90000046  }
0xb5: {  	s29 =	simm.s32 $0x9;
	_ =	strace $0x80000048  }
0xb6: {  	_ =	swait.ge [sflag:s29], $0x1  }
0xb7: {  	[sflag:s29] =	ssyncadd.s32 $0xFFFFFFFF  }
0xb8: {  	_ =	strace $0x90000048  }
0xb9: {  	_ =	sfence  }
0xba: {  	s30 =	sld [smem:$0x0];
	_ =	sdelay $0x2  }
0xbb: {  	s31 =	sshll.u32 s1, $0xD;
	s1 =	sshrl.u32 s1, $0x2  }
0xbc: {  	s3 =	sand.u32 $0x4000, s31;
	s1 =	sadd.s32 s1, s30  }
0xbd: {  	s0 =	sor.u32 s3, s0;
	s1 =	sshll.u32 s1, $0x11  }
0xbe: {  	s0 =	sor.u32 s1, s0  }
0xbf: {  	s0 =	sadd.s32 $0x8F2B, s0  }
0xc0: {  	[sflag:s0] =	ssyncadd.remote.s32 $0x1  }
0xc1: {  	_ =	sfence.sel $0xFFFF  }
0xc2: {  	[dreg:$0x0] =	wrdreg $0xFFFFFFFF;
	(pc) =	sbr.abs _section_cstart, $3  }
0xc3: {  	[dreg:$0x1] =	wrdreg $0xFFFFFFFF  }
0xc4: {  	_ =	task.clear_ibuf [dreg:s9], $0x2FFFF;
	_ =	strace $0x9FFFFFFF  }
0xc5: {  	(tm) =	ssettm $0x7FFFFFFF  }
tec
execute0_lowered:
.L_overlay_start_1:
0x0: {  	(tag) =	ssettag $0x1  }
0x1: {  	v0 =	vimm.s32 $0x3F3E3D  }
0x2: {  	v1 =	vimm.s32 $0x201003F;
	v2 =	vimm.s32 $0x32107654;
	vm0 =	vcmask $0x300  }
0x3: {  	v3 =	vimm.s32 $0xF;
	vm1 =	vcmask $0x2F10;
	v4 =	vimm.s32 $0xB0A0908  }
0x4: {  	v5 =	vimm.s32 $0x6543A987;
	v6 =	vimm.s32 $0xC0B0A09;
	v7 =	vimm.s32 $0xD0C0B0A  }
0x5: {  	v8 =	vimm.s32 $0xE0D0C0B;
	v9 =	vimm.s32 $0x48F;
	v10 =	vimm.s32 $0x50F  }
0x6: {  	v11 =	vimm.s32 $0x58F;
	v12 =	vimm.s32 $0x60F;
	v13 =	vimm.s32 $0x68F  }
0x7: {  	v14 =	vimm.s32 $0x70F;
	v61 =	vunpack.c.0.s8.s32 v0;
	v0 =	vimm.s32 $0x1003F3E  }
0x8: {  	v63 =	vunpack.c.0.s8.s32 v1;
	v1 =	vimm.s32 $0x3F3E3D3C;
	v5 =	vunpack.c.l.s4.s8 v5  }
0x9: {  	v4 =	vunpack.c.0.s8.s32 v4;
	v6 =	vunpack.c.0.s8.s32 v6;
	v7 =	vunpack.c.0.s8.s32 v7  }
0xa: {  	v8 =	vunpack.c.0.s8.s32 v8;
	v9 =	vsel vm0, $0x1D00, v9;
	v10 =	vsel vm0, $0x1D80, v10  }
0xb: {  	v62 =	vunpack.c.0.s8.s32 v0;
	v0 =	vunpack.c.l.s4.s8 v2;
	v2 =	vimm.s32 $0x43218765  }
0xc: {  	v20 =	vunpack.c.0.s8.s32 v1;
	v1 =	vsel vm0, $0x1880, v3;
	v3 =	vimm.s32 $0x54329876  }
0xd: {  	v2 =	vunpack.c.l.s4.s8 v2;
	v3 =	vunpack.c.l.s4.s8 v3;
	v5 =	vunpack.c.0.s8.s32 v5  }
0xe: {  	v11 =	vsel vm0, $0x1E00, v11;
	v12 =	vsel vm0, $0x1E80, v12;
	v0 =	vunpack.c.0.s8.s32 v0  }
0xf: {  	v2 =	vunpack.c.0.s8.s32 v2;
	v3 =	vunpack.c.0.s8.s32 v3;
	v5 =	vand.u32 $0xF, v5  }
0x10: {  	v13 =	vsel vm0, $0x1F00, v13;
	v0 =	vand.u32 $0xF, v0;
	v5 =	vsel vm1, v5, v63  }
0x11: {  	v2 =	vand.u32 $0xF, v2;
	v0 =	vsel vm1, v0, v20;
	v3 =	vand.u32 $0xF, v3  }
0x12: {  	v2 =	vsel vm1, v2, v61;
	v3 =	vsel vm1, v3, v62;
	vm1 =	vcmask $0x3F30  }
0x13: {  	v14 =	vsel vm0, $0x1F80, v14;
	v59 =	vsel vm1, v4, v0;
	v60 =	vsel vm1, v6, v2  }
0x14: {  	v0 =	vsel vm1, v7, v3;
	v2 =	vimm.s32 $0x10F;
	v3 =	vimm.s32 $0x18F  }
0x15: {  	v4 =	vimm.s32 $0x20F;
	v6 =	vimm.s32 $0x30F;
	v7 =	vimm.s32 $0x38F  }
0x16: {  	[tilespmem:$0x1FC50] =	vst v0;
	v0 =	vsel vm1, v8, v5;
	vm1 =	vcmask $0x704;
	v2 =	vsel vm0, $0x1980, v2  }
0x17: {  	v3 =	vsel vm0, $0x1A00, v3;
	v4 =	vsel vm0, $0x1A80, v4;
	v5 =	vimm.s32 $0x28F  }
0x18: {  	v6 =	vsel vm0, $0x1B80, v6;
	v7 =	vsel vm0, $0x1C00, v7;
	v8 =	vimm.s32 $0x40F  }
0x19: {  	[tilespmem:$0x1FC60] =	vst v0;
	v0 =	vimm.s32 $0x8F;
	v1 =	vsel vm1, $0x1901, v1;
	v5 =	vsel vm0, $0x1B00, v5  }
0x1a: {  	v8 =	vsel vm0, $0x1C80, v8;
	v2 =	vsel vm1, $0x1A01, v2;
	v3 =	vsel vm1, $0x1A81, v3  }
0x1b: {  	v4 =	vsel vm1, $0x1B01, v4;
	v6 =	vsel vm1, $0x1C01, v6;
	v7 =	vsel vm1, $0x1C81, v7  }
0x1c: {  	v9 =	vsel vm1, $0x1D81, v9;
	v10 =	vsel vm1, $0x1E01, v10;
	v11 =	vsel vm1, $0x1E81, v11  }
0x1d: {  	v12 =	vsel vm1, $0x1F01, v12;
	v13 =	vsel vm1, $0x1F81, v13;
	v14 =	vsel vm1, $0x1, v14  }
0x1e: {  	v0 =	vsel vm0, $0x1900, v0;
	vm0 =	vcmask $0xB08;
	v5 =	vsel vm1, $0x1B81, v5  }
0x1f: {  	v15 =	vsel vm1, $0x1D01, v8;
	v0 =	vsel vm1, $0x1981, v0;
	v1 =	vsel vm0, $0x1982, v1  }
0x20: {  	v2 =	vsel vm0, $0x1A82, v2;
	v3 =	vsel vm0, $0x1B02, v3;
	v4 =	vsel vm0, $0x1B82, v4  }
0x21: {  	v5 =	vsel vm0, $0x1C02, v5;
	v6 =	vsel vm0, $0x1C82, v6;
	v7 =	vsel vm0, $0x1D02, v7  }
0x22: {  	v15 =	vsel vm0, $0x1D82, v15;
	v9 =	vsel vm0, $0x1E02, v9;
	v10 =	vsel vm0, $0x1E82, v10  }
0x23: {  	v11 =	vsel vm0, $0x1F02, v11;
	v12 =	vsel vm0, $0x1F82, v12;
	v13 =	vsel vm0, $0x2, v13  }
0x24: {  	v14 =	vsel vm0, $0x82, v14;
	v0 =	vsel vm0, $0x1A02, v0;
	vm0 =	vcmask $0xF0C  }
0x25: {  	v18 =	vlaneseq.u32;
	v1 =	vsel vm0, $0x1A03, v1  }
0x26: {  	v0 =	vsel vm0, $0x1A83, v0;
	v2 =	vsel vm0, $0x1B03, v2;
	v3 =	vsel vm0, $0x1B83, v3  }
0x27: {  	v4 =	vsel vm0, $0x1C03, v4;
	v5 =	vsel vm0, $0x1C83, v5;
	v6 =	vsel vm0, $0x1D03, v6  }
0x28: {  	v7 =	vsel vm0, $0x1D83, v7;
	v15 =	vsel vm0, $0x1E03, v15;
	v9 =	vsel vm0, $0x1E83, v9  }
0x29: {  	v10 =	vsel vm0, $0x1F03, v10;
	v11 =	vsel vm0, $0x1F83, v11;
	v12 =	vsel vm0, $0x3, v12  }
0x2a: {  	v13 =	vsel vm0, $0x83, v13;
	v14 =	vsel vm0, $0x103, v14;
	vm0 =	vcmask $0x1310  }
0x2b: {  	v16 =	vmul.u32 $0x81, v18;
	v1 =	vsel vm0, $0x1A84, v1  }
0x2c: {  	v0 =	vsel vm0, $0x1B04, v0;
	v2 =	vsel vm0, $0x1B84, v2;
	v3 =	vsel vm0, $0x1C04, v3  }
0x2d: {  	v4 =	vsel vm0, $0x1C84, v4;
	v5 =	vsel vm0, $0x1D04, v5;
	v6 =	vsel vm0, $0x1D84, v6  }
0x2e: {  	v7 =	vsel vm0, $0x1E04, v7;
	v15 =	vsel vm0, $0x1E84, v15;
	v9 =	vsel vm0, $0x1F04, v9  }
0x2f: {  	v10 =	vsel vm0, $0x1F84, v10;
	v11 =	vsel vm0, $0x4, v11;
	v12 =	vsel vm0, $0x84, v12  }
0x30: {  	v13 =	vsel vm0, $0x104, v13;
	v14 =	vsel vm0, $0x184, v14;
	vm0 =	vcmask $0x1714  }
0x31: {  	v17 =	vadd.s32 $0x200, v16;
	v1 =	vsel vm0, $0x1B05, v1  }
0x32: {  	v0 =	vsel vm0, $0x1B85, v0;
	v2 =	vsel vm0, $0x1C05, v2;
	v3 =	vsel vm0, $0x1C85, v3  }
0x33: {  	v4 =	vsel vm0, $0x1D05, v4;
	v5 =	vsel vm0, $0x1D85, v5;
	v6 =	vsel vm0, $0x1E05, v6  }
0x34: {  	v7 =	vsel vm0, $0x1E85, v7;
	v15 =	vsel vm0, $0x1F05, v15;
	v9 =	vsel vm0, $0x1F85, v9  }
0x35: {  	v10 =	vsel vm0, $0x5, v10;
	v11 =	vsel vm0, $0x85, v11;
	v12 =	vsel vm0, $0x105, v12  }
0x36: {  	v13 =	vsel vm0, $0x185, v13;
	v14 =	vsel vm0, $0x205, v14;
	vm0 =	vcmask $0x1B18  }
0x37: {  	[tilespmem:$0x1FC70] =	vst v17;
	v17 =	vadd.s32 $0x280, v16;
	v1 =	vsel vm0, $0x1B86, v1  }
0x38: {  	v0 =	vsel vm0, $0x1C06, v0;
	v2 =	vsel vm0, $0x1C86, v2;
	v3 =	vsel vm0, $0x1D06, v3  }
0x39: {  	v4 =	vsel vm0, $0x1D86, v4;
	v5 =	vsel vm0, $0x1E06, v5;
	v6 =	vsel vm0, $0x1E86, v6  }
0x3a: {  	v7 =	vsel vm0, $0x1F06, v7;
	v15 =	vsel vm0, $0x1F86, v15;
	v9 =	vsel vm0, $0x6, v9  }
0x3b: {  	v10 =	vsel vm0, $0x86, v10;
	v11 =	vsel vm0, $0x106, v11;
	v12 =	vsel vm0, $0x186, v12  }
0x3c: {  	v13 =	vsel vm0, $0x206, v13;
	v14 =	vsel vm0, $0x286, v14;
	vm0 =	vcmask $0x1F1C  }
0x3d: {  	[tilespmem:$0x1FC80] =	vst v17;
	v17 =	vadd.s32 $0x300, v16;
	v1 =	vsel vm0, $0x1C07, v1  }
0x3e: {  	v0 =	vsel vm0, $0x1C87, v0;
	v2 =	vsel vm0, $0x1D07, v2;
	v3 =	vsel vm0, $0x1D87, v3  }
0x3f: {  	v4 =	vsel vm0, $0x1E07, v4;
	v5 =	vsel vm0, $0x1E87, v5;
	v6 =	vsel vm0, $0x1F07, v6  }
0x40: {  	v7 =	vsel vm0, $0x1F87, v7;
	v15 =	vsel vm0, $0x7, v15;
	v9 =	vsel vm0, $0x87, v9  }
0x41: {  	v10 =	vsel vm0, $0x107, v10;
	v11 =	vsel vm0, $0x187, v11;
	v12 =	vsel vm0, $0x207, v12  }
0x42: {  	v13 =	vsel vm0, $0x287, v13;
	v14 =	vsel vm0, $0x307, v14;
	vm0 =	vcmask $0x2320  }
0x43: {  	[tilespmem:$0x1FC90] =	vst v17;
	v17 =	vadd.s32 $0x380, v16;
	v1 =	vsel vm0, $0x1C88, v1  }
0x44: {  	v0 =	vsel vm0, $0x1D08, v0;
	v2 =	vsel vm0, $0x1D88, v2;
	v3 =	vsel vm0, $0x1E08, v3  }
0x45: {  	v4 =	vsel vm0, $0x1E88, v4;
	v5 =	vsel vm0, $0x1F08, v5;
	v6 =	vsel vm0, $0x1F88, v6  }
0x46: {  	v7 =	vsel vm0, $0x8, v7;
	v15 =	vsel vm0, $0x88, v15;
	v9 =	vsel vm0, $0x108, v9  }
0x47: {  	v10 =	vsel vm0, $0x188, v10;
	v11 =	vsel vm0, $0x208, v11;
	v12 =	vsel vm0, $0x288, v12  }
0x48: {  	v13 =	vsel vm0, $0x308, v13;
	v14 =	vsel vm0, $0x388, v14;
	vm0 =	vcmask $0x2724  }
0x49: {  	[tilespmem:$0x1FCA0] =	vst v17;
	v17 =	vadd.s32 $0x8, v18;
	v1 =	vsel vm0, $0x1D09, v1  }
0x4a: {  	v0 =	vsel vm0, $0x1D89, v0;
	v2 =	vsel vm0, $0x1E09, v2;
	v3 =	vsel vm0, $0x1E89, v3  }
0x4b: {  	v4 =	vsel vm0, $0x1F09, v4;
	v5 =	vsel vm0, $0x1F89, v5;
	v6 =	vsel vm0, $0x9, v6  }
0x4c: {  	v7 =	vsel vm0, $0x89, v7;
	v15 =	vsel vm0, $0x109, v15;
	v9 =	vsel vm0, $0x189, v9  }
0x4d: {  	v10 =	vsel vm0, $0x209, v10;
	v11 =	vsel vm0, $0x289, v11;
	v12 =	vsel vm0, $0x309, v12  }
0x4e: {  	v13 =	vsel vm0, $0x389, v13;
	v14 =	vsel vm0, $0x409, v14;
	vm0 =	vcmask $0x2B28  }
0x4f: {  	[tilespmem:$0x1FCB0] =	vst v17;
	v17 =	vadd.s32 $0x9, v18;
	v1 =	vsel vm0, $0x1D8A, v1  }
0x50: {  	v0 =	vsel vm0, $0x1E0A, v0;
	v2 =	vsel vm0, $0x1E8A, v2;
	v3 =	vsel vm0, $0x1F0A, v3  }
0x51: {  	v4 =	vsel vm0, $0x1F8A, v4;
	v5 =	vsel vm0, $0xA, v5;
	v6 =	vsel vm0, $0x8A, v6  }
0x52: {  	v7 =	vsel vm0, $0x10A, v7;
	v15 =	vsel vm0, $0x18A, v15;
	v9 =	vsel vm0, $0x20A, v9  }
0x53: {  	v10 =	vsel vm0, $0x28A, v10;
	v11 =	vsel vm0, $0x30A, v11;
	v12 =	vsel vm0, $0x38A, v12  }
0x54: {  	v13 =	vsel vm0, $0x40A, v13;
	v14 =	vsel vm0, $0x48A, v14;
	vm0 =	vcmask $0x2F2C  }
0x55: {  	[tilespmem:$0x1FCC0] =	vst v17;
	v17 =	vadd.s32 $0xA, v18;
	v1 =	vsel vm0, $0x1E0B, v1  }
0x56: {  	v0 =	vsel vm0, $0x1E8B, v0;
	v2 =	vsel vm0, $0x1F0B, v2;
	v3 =	vsel vm0, $0x1F8B, v3  }
0x57: {  	v4 =	vsel vm0, $0xB, v4;
	v5 =	vsel vm0, $0x8B, v5;
	v6 =	vsel vm0, $0x10B, v6  }
0x58: {  	v7 =	vsel vm0, $0x18B, v7;
	v15 =	vsel vm0, $0x20B, v15;
	v9 =	vsel vm0, $0x28B, v9  }
0x59: {  	v10 =	vsel vm0, $0x30B, v10;
	v11 =	vsel vm0, $0x38B, v11;
	v12 =	vsel vm0, $0x40B, v12  }
0x5a: {  	v13 =	vsel vm0, $0x48B, v13;
	v14 =	vsel vm0, $0x50B, v14;
	vm0 =	vcmask $0x3330  }
0x5b: {  	[tilespmem:$0x1FCD0] =	vst v17;
	v17 =	vadd.s32 $0xB, v18;
	v1 =	vsel vm0, $0x1E8C, v1  }
0x5c: {  	v0 =	vsel vm0, $0x1F0C, v0;
	v2 =	vsel vm0, $0x1F8C, v2;
	v3 =	vsel vm0, $0xC, v3  }
0x5d: {  	v4 =	vsel vm0, $0x8C, v4;
	v5 =	vsel vm0, $0x10C, v5;
	v6 =	vsel vm0, $0x18C, v6  }
0x5e: {  	v7 =	vsel vm0, $0x20C, v7;
	v15 =	vsel vm0, $0x28C, v15;
	v9 =	vsel vm0, $0x30C, v9  }
0x5f: {  	v10 =	vsel vm0, $0x38C, v10;
	v11 =	vsel vm0, $0x40C, v11;
	v12 =	vsel vm0, $0x48C, v12  }
0x60: {  	v13 =	vsel vm0, $0x50C, v13;
	v14 =	vsel vm0, $0x58C, v14;
	vm0 =	vcmask $0x3734  }
0x61: {  	[tilespmem:$0x1FCE0] =	vst v17;
	v17 =	vadd.s32 $0xC, v18;
	v1 =	vsel vm0, $0x1F0D, v1  }
0x62: {  	v0 =	vsel vm0, $0x1F8D, v0;
	v2 =	vsel vm0, $0xD, v2;
	v3 =	vsel vm0, $0x8D, v3  }
0x63: {  	v4 =	vsel vm0, $0x10D, v4;
	v5 =	vsel vm0, $0x18D, v5;
	v6 =	vsel vm0, $0x20D, v6  }
0x64: {  	v7 =	vsel vm0, $0x28D, v7;
	v15 =	vsel vm0, $0x30D, v15;
	v9 =	vsel vm0, $0x38D, v9  }
0x65: {  	v10 =	vsel vm0, $0x40D, v10;
	v11 =	vsel vm0, $0x48D, v11;
	v12 =	vsel vm0, $0x50D, v12  }
0x66: {  	v13 =	vsel vm0, $0x58D, v13;
	v14 =	vsel vm0, $0x60D, v14;
	vm0 =	vcmask $0x3B38  }
0x67: {  	[tilespmem:$0x1FCF0] =	vst v17;
	v0 =	vsel vm0, $0xE, v0  }
0x68: {  	[tilespmem:$0x1FD10] =	vst v0;
	v0 =	vsel vm0, $0x8E, v2  }
0x69: {  	[tilespmem:$0x1FD20] =	vst v0;
	v0 =	vsel vm0, $0x10E, v3  }
0x6a: {  	[tilespmem:$0x1FD30] =	vst v0;
	v0 =	vsel vm0, $0x18E, v4  }
0x6b: {  	[tilespmem:$0x1FD40] =	vst v0;
	v0 =	vsel vm0, $0x20E, v5  }
0x6c: {  	[tilespmem:$0x1FD50] =	vst v0;
	v0 =	vsel vm0, $0x28E, v6  }
0x6d: {  	[tilespmem:$0x1FD60] =	vst v0;
	v0 =	vsel vm0, $0x30E, v7  }
0x6e: {  	[tilespmem:$0x1FD70] =	vst v0;
	v0 =	vsel vm0, $0x38E, v15  }
0x6f: {  	[tilespmem:$0x1FD80] =	vst v0;
	v0 =	vsel vm0, $0x40E, v9  }
0x70: {  	[tilespmem:$0x1FD90] =	vst v0;
	v0 =	vsel vm0, $0x48E, v10  }
0x71: {  	v17 =	vimm.s32 $0x34333231;
	[tilespmem:$0x1FDA0] =	vst v0;
	v0 =	vsel vm0, $0x50E, v11  }
0x72: {  	v1 =	vsel vm0, $0x1F8E, v1;
	v8 =	vsel vm0, $0x60E, v13;
	[tilespmem:$0x1FDB0] =	vst v0;
	v0 =	vimm.s32 $0x38373635  }
0x73: {  	[tilespmem:$0x1FD00] =	vst v1;
	v1 =	vimm.s32 $0x39383736;
	v3 =	vunpack.c.0.s8.s32 v0;
	v0 =	vimm.s32 $0x35343332  }
0x74: {  	v2 =	vimm.s32 $0x3C3B3A39;
	v1 =	vunpack.c.0.s8.s32 v1;
	v0 =	vunpack.c.0.s8.s32 v0  }
0x75: {  	v7 =	vsel vm0, $0x58E, v12;
	v15 =	vsel vm0, $0x68E, v14;
	vm0 =	vcmask $0x1F10  }
0x76: {  	v17 =	vunpack.c.0.s8.s32 v17;
	v39 =	vunpack.c.0.s8.s32 v2;
	[tilespmem:$0x1FDF0] =	vst v1;
	v0 =	vsel vm0, v1, v0  }
0x77: {  	v4 =	vadd.s32 $0xD, v18;
	v1 =	vimm.s32 $0x36353433;
	[tilespmem:$0x1FE00] =	vst v0;
	v0 =	vimm.s32 $0x3D3C3B3A  }
0x78: {  	v40 =	vunpack.c.0.s8.s32 v0;
	v0 =	vunpack.c.0.s8.s32 v1;
	v1 =	vimm.s32 $0x3A393837  }
0x79: {  	v2 =	vimm.s32 $0x3020100;
	[tilespmem:$0x1FDC0] =	vst v4;
	v4 =	vimm.s32 $0x3B3A3938;
	v5 =	vunpack.c.0.s8.s32 v1  }
0x7a: {  	v2 =	vunpack.c.0.s8.s32 v2;
	v6 =	vunpack.c.0.s8.s32 v4;
	[tilespmem:$0x1FDD0] =	vst v3;
	v3 =	vsel vm0, v3, v17  }
0x7b: {  	v4 =	vimm.s32 $0x4030201;
	[tilespmem:$0x1FDE0] =	vst v3;
	v3 =	vimm.s32 $0x37363534;
	v0 =	vsel vm0, v5, v0  }
0x7c: {  	v3 =	vunpack.c.0.s8.s32 v3;
	v1 =	vimm.s32 $0x3E3D3C3B;
	[tilespmem:$0x1FE20] =	vst v0;
	v0 =	vunpack.c.0.s8.s32 v4  }
0x7d: {  	v51 =	vunpack.c.0.s8.s32 v1;
	v1 =	vsel vm0, v2, v20  }
0x7e: {  	v2 =	vsel vm0, v6, v3;
	v3 =	vimm.s32 $0x5040302;
	[tilespmem:$0x1FE10] =	vst v5;
	v0 =	vsel vm0, v0, v61  }
0x7f: {  	v5 =	vimm.s32 $0x76543210;
	v4 =	vimm.s32 $0xA9876543;
	[tilespmem:$0x1FE60] =	vst v0;
	v0 =	vunpack.c.0.s8.s32 v3  }
0x80: {  	[tilespmem:$0x1FE30] =	vst v20;
	v5 =	vunpack.c.l.s4.s8 v5;
	v4 =	vunpack.c.l.s4.s8 v4  }
0x81: {  	s6 =	rddreg [dreg:$0x0];
	[tilespmem:$0x1FE40] =	vst v6;
	v1 =	vcombine.low v2, v1;
	v0 =	vsel vm0, v0, v62  }
0x82: {  	s0 =	rddreg [dreg:$0x1];
	s4 =	srdreg.scid;
	[tilespmem:$0x1FE70] =	vst v0;
	v0 =	vunpack.c.0.s8.s32 v4;
	v4 =	vunpack.c.0.s8.s32 v5  }
0x83: {  	s1 =	rddreg [dreg:$0x2];
	s5 =	sand.u32 $0x1, s4;
	s4 =	simm.s32 $0x0;
	[tilespmem:$0x1FE50] =	vst v1  }
0x84: {  	[smem:$0x7FF] =	sst s4;
	v47 =	vadd.s32 $0xB80, v16;
	[tilespmem:$0x1FE80] =	vst v4  }
0x85: {  	s3 =	rddreg [dreg:$0x3];
	v54 =	vadd.s32 $0x18, v18;
	_ =	strace $0x80000047;
	[tilespmem:$0x1FE90] =	vst v47  }
0x86: {  	v12 =	vadd.s32 $0x19, v18;
	[tilespmem:$0x1FEA0] =	vst v54  }
0x87: {  	v13 =	vadd.s32 $0x1A, v18;
	[tilespmem:$0x1FEB0] =	vst v12  }
0x88: {  	v19 =	vmul.u32 $0x80, v18;
	v45 =	vadd.s32 $0x1, v18;
	v14 =	vadd.s32 $0x1B, v18;
	[tilespmem:$0x1FEC0] =	vst v13  }
0x89: {  	v46 =	vadd.s32 $0x2, v18;
	v42 =	vadd.s32 $0x3, v18;
	v43 =	vadd.s32 $0x1C, v18;
	[tilespmem:$0x1FED0] =	vst v14  }
0x8a: {  	v48 =	vadd.s32 $0x4, v18;
	v50 =	vadd.s32 $0x5, v18;
	v44 =	vadd.s32 $0x1D, v18;
	[tilespmem:$0x1FEE0] =	vst v43  }
0x8b: {  	v52 =	vadd.s32 $0x6, v18;
	v53 =	vadd.s32 $0x7, v18;
	v29 =	vadd.s32 $0xE, v18;
	[tilespmem:$0x1FEF0] =	vst v44  }
0x8c: {  	v31 =	vadd.s32 $0xF, v18;
	v21 =	vadd.s32 $0x11, v18;
	v22 =	vadd.s32 $0x12, v18;
	[tilespmem:$0x1FF90] =	vst v19  }
0x8d: {  	v23 =	vadd.s32 $0x13, v18;
	v24 =	vadd.s32 $0x14, v18;
	v25 =	vadd.s32 $0x15, v18;
	[tilespmem:$0x1FFA0] =	vst v7  }
0x8e: {  	v26 =	vadd.s32 $0x16, v18;
	v27 =	vadd.s32 $0x17, v18;
	v56 =	vadd.s32 $0x80, v16;
	[tilespmem:$0x1FFB0] =	vst v8  }
0x8f: {  	v57 =	vadd.s32 $0x100, v16;
	v58 =	vadd.s32 $0x180, v16;
	v33 =	vadd.s32 $0x400, v16;
	[tilespmem:$0x1FFC0] =	vst v15  }
0x90: {  	v34 =	vadd.s32 $0x480, v16;
	v35 =	vadd.s32 $0x500, v16;
	v36 =	vadd.s32 $0x580, v16;
	[tilespmem:$0x1FFD0] =	vst v59  }
0x91: {  	v37 =	vadd.s32 $0x600, v16;
	v38 =	vadd.s32 $0x680, v16;
	v28 =	vor.u32 $0x800, v16;
	[tilespmem:$0x1FFE0] =	vst v42  }
0x92: {  	v30 =	vadd.s32 $0x880, v16;
	v49 =	vadd.s32 $0xA00, v16;
	v47 =	vadd.s32 $0x1E, v18;
	[tilespmem:$0x1FFF0] =	vst v46  }
0x93: {  	v55 =	vadd.s32 $0xA80, v16;
	v41 =	vadd.s32 $0xB00, v16;
	v54 =	vadd.s32 $0x1F, v18;
	[tilespmem:$0x1FF00] =	vst v47  }
0x94: {  	s2 =	stileid.u32;
	s10 =	simm.s32 $0x6400;
	v6 =	vadd.s32 $0x780, v16;
	v2 =	vimm.s32 $0x87654321;
	v12 =	vadd.s32 $0xC00, v16;
	[tilespmem:$0x1FF10] =	vst v54  }
0x95: {  	s11 =	simm.s32 $0xA400;
	s12 =	simm.s32 $0x100;
	s13 =	simm.s32 $0xE400;
	v2 =	vunpack.c.l.s4.s8 v2;
	v3 =	vimm.s32 $0x98765432;
	v13 =	vadd.s32 $0xC80, v16;
	[tilespmem:$0x1FF20] =	vst v12  }
0x96: {  	s14 =	simm.s32 $0x180;
	s15 =	simm.s32 $0x12400;
	s16 =	simm.s32 $0x1;
	v1 =	vimm.s32 $0x6050403;
	v3 =	vunpack.c.l.s4.s8 v3;
	v14 =	vadd.s32 $0xD00, v16;
	[tilespmem:$0x1FF30] =	vst v13  }
0x97: {  	s17 =	simm.s32 $0x400;
	s18 =	simm.s32 $0x20000;
	s7 =	sshll.u32 s2, $0x1;
	v20 =	vor.u32 $0x10, v18;
	v1 =	vunpack.c.0.s8.s32 v1;
	v43 =	vadd.s32 $0xD80, v16;
	[tilespmem:$0x1FF40] =	vst v14  }
0x98: {  	s19 =	simm.s32 $0x2;
	s8 =	ssub.s32 $0x2, s5;
	s5 =	sor.u32 s5, s7;
	v2 =	vunpack.c.0.s8.s32 v2;
	v3 =	vunpack.c.0.s8.s32 v3;
	v44 =	vadd.s32 $0xE00, v16;
	[tilespmem:$0x1FF50] =	vst v43  }
0x99: {  	s20 =	simm.s32 $0x0;
	s31 =	sshrl.u32 s8, $0x1;
	s9 =	smul.u32 $0xC80, s5;
	v1 =	vsel vm0, v1, v63;
	v5 =	vadd.s32 $0x700, v16;
	[tilespmem:$0x1FF60] =	vst v44;
	v47 =	vadd.s32 $0xE80, v16  }
0x9a: {  	s5 =	smul.u32 $0xC8, s5;
	s7 =	ssub.s32 s8, s31;
	s8 =	simm.s32 $0x3;
	v4 =	vand.u32 $0xF, v2;
	v32 =	vand.u32 $0xF, v3;
	v54 =	vadd.s32 $0xF00, v16;
	[tilespmem:$0x1FF70] =	vst v47  }
0x9b: {  	s6 =	sadd.s32 s6, s9;
	s7 =	smax.u32 s7, $0x1;
	s9 =	simm.s32 $0x80;
	v0 =	vand.u32 $0xF, v0;
	v2 =	vadd.s32 $0x900, v16;
	v3 =	vadd.s32 $0x980, v16;
	[tilespmem:$0x1FF80] =	vst v54  }
.LBB2_1:
0x9c: {  	[tilespmem:s4], [sflag:$0x3] =	stream.linear.gather [hbm4b:s6+s4], $0x6400, $0x38;
	[tilespmem:$0x1A400] =	vst v63  }
0x9d: {  	_ =	swait.ge [sflag:s8], $0x6400  }
0x9e: {  	[sflag:s8] =	ssyncset.done $0x0  }
0x9f: {  	[sflag:s8] =	ssyncadd.s32 $0xFFFF9C00  }
0xa0: {  	[tilespmem:s10], [sflag:$0x1] =	stream.indirect.gather [hbm4b:s0+s9], $0x80, s4, s9, $0xb8;
	[tilespmem:$0x1A400] =	vst v63  }
0xa1: {  	_ = 	snop  }
0xa2: {  	[tilespmem:s11], [sflag:$0x1] =	stream.indirect.gather [hbm4b:s0+s9], $0x80, s9, s9, $0xb8;
	[tilespmem:$0x1A400] =	vst v63  }
0xa3: {  	_ = 	snop  }
0xa4: {  	[tilespmem:s13], [sflag:$0x1] =	stream.indirect.gather [hbm4b:s0+s9], $0x80, s12, s9, $0xb8;
	[tilespmem:$0x1A400] =	vst v63  }
0xa5: {  	s21 =	simm.s32 $0x0  }
0xa6: {  	[tilespmem:s15], [sflag:$0x1] =	stream.indirect.gather [hbm4b:s0+s9], $0x80, s14, s9, $0xb8;
	[tilespmem:$0x1A400] =	vst v63  }
.LBB2_2:
0xa7: {  	_ =	swait.ge [sflag:s16], $0x4000  }
0xa8: {  	p0 =	slt.u32 s21, $0x2;
	[sflag:s16] =	ssyncset.done $0x0  }
0xa9: {  	s23 =	sshll.u32 s21, $0xE;
	s22 =	simm.s32 @!p0 $0x2;
	[sflag:s16] =	ssyncadd.s32 $0xFFFFC000  }
0xaa: {  	s24 =	sshll.u32 s21, $0xD;
	s30 =	sand.u32 $0xC000, s23;
	_ =	swait.ge @!p0 [sflag:s22], $0x2000  }
0xab: {  	s31 =	sand.u32 $0x2000, s24;
	s24 =	simm.s32 $0x0;
	[sflag:s22] =	ssyncset.done @!p0 $0x0  }
0xac: {  	s23 =	sadd.s32 $0x16400, s31;
	[sflag:s22] =	ssyncadd.s32 @!p0 $0xFFFFE000;
	s22 =	sadd.s32 $0x6400, s30  }
.LBB2_3:
0xad: {  	v7 =	vld [tilespmem:$0x1FFF0];
	_ =	sdelay $0x1  }
0xae: {  	v43 =	vmov s24  }
0xaf: {  	v43 =	vshll.u32 v43, $0x7  }
0xb0: {  	v43 =	vor.u32 v19, v43  }
0xb1: {  	v46 =	vor.u32 v7, v43;
	v7 =	vld [tilespmem:$0x1FFE0]  }
0xb2: {  	v44 =	vor.u32 v18, v43  }
0xb3: {  	v59 =	vor.u32 v45, v43;
	_ =	sdelay $0x1  }
0xb4: {  	v9 =	vor.u32 v48, v43  }
0xb5: {  	v47 =	vor.u32 v7, v43;
	v7 =	vld [tilespmem:$0x1FC70]  }
0xb6: {  	v10 =	vor.u32 v50, v43;
	v44 =	vld.idx.msk [tilespmem:v44+s22+$0x0], $0xffff  }
0xb7: {  	v11 =	vmov v45;
	v14 =	vmov v52;
	v52 =	vor.u32 v52, v43;
	v45 =	vld.idx.msk [tilespmem:v59+s22+$0x0], $0xffff  }
0xb8: {  	v42 =	vor.u32 v53, v43;
	v46 =	vld.idx.msk [tilespmem:v46+s22+$0x0], $0xffff  }
0xb9: {  	v12 =	vmov v48;
	v48 =	vld.idx.msk [tilespmem:v9+s22+$0x0], $0xffff  }
0xba: {  	v54 =	vor.u32 s24, v16;
	v59 =	vor.u32 s24, v7;
	v7 =	vld [tilespmem:$0x1FC80]  }
0xbb: {  	v13 =	vmov v50;
	v50 =	vld.idx.msk [tilespmem:v10+s22+$0x0], $0xffff  }
0xbc: {  	v52 =	vld.idx.msk [tilespmem:v52+s22+$0x0], $0xffff  }
0xbd: {  	v15 =	vmov v53;
	v53 =	vld.idx.msk [tilespmem:v42+s22+$0x0], $0xffff  }
0xbe: {  	v47 =	vld.idx.msk [tilespmem:v47+s22+$0x0], $0xffff  }
0xbf: {  	v17 =	vmov v56;
	v56 =	vor.u32 s24, v56;
	[tilespmem:v54+s23+$0x0] =	vst.idx.msk $0xffff, v44;
	v44 =	vor.u32 s24, v7;
	v7 =	vld [tilespmem:$0x1FC90];
	_ =	sdelay $0x4  }
0xc0: {  	v10 =	vor.u32 s24, v57;
	[tilespmem:v56+s23+$0x0] =	vst.idx.msk $0xffff, v45;
	v45 =	vor.u32 s24, v7;
	v7 =	vld [tilespmem:$0x1FCA0];
	_ =	sdelay $0x4  }
0xc1: {  	[tilespmem:v10+s23+$0x0] =	vst.idx.msk $0xffff, v46;
	v10 =	vor.u32 s24, v7;
	v7 =	vld [tilespmem:$0x1FCB0];
	_ =	sdelay $0x4  }
0xc2: {  	v54 =	vor.u32 v7, v43;
	v7 =	vld [tilespmem:$0x1FCC0];
	_ =	sdelay $0x4  }
0xc3: {  	v56 =	vor.u32 v7, v43;
	v7 =	vld [tilespmem:$0x1FCD0];
	_ =	sdelay $0x4  }
0xc4: {  	v19 =	vmovc v58;
	v58 =	vor.u32 s24, v58;
	v9 =	vmov v57;
	v57 =	vor.u32 v7, v43;
	v7 =	vld [tilespmem:$0x1FCE0];
	_ =	sdelay $0x4  }
0xc5: {  	[tilespmem:v58+s23+$0x0] =	vst.idx.msk $0xffff, v47;
	v58 =	vor.u32 v7, v43;
	v7 =	vld [tilespmem:$0x1FCF0]  }
0xc6: {  	[tilespmem:v59+s23+$0x0] =	vst.idx.msk $0xffff, v48  }
0xc7: {  	[tilespmem:v44+s23+$0x0] =	vst.idx.msk $0xffff, v50  }
0xc8: {  	[tilespmem:v45+s23+$0x0] =	vst.idx.msk $0xffff, v52;
	v52 =	vor.u32 v29, v43;
	_ =	sdelay $0x1  }
0xc9: {  	[tilespmem:v10+s23+$0x0] =	vst.idx.msk $0xffff, v53;
	v53 =	vor.u32 v31, v43;
	v59 =	vor.u32 v7, v43;
	v7 =	vld [tilespmem:$0x1FDC0];
	_ =	sdelay $0x2  }
0xca: {  	v52 =	vld.idx.msk [tilespmem:v52+s22+$0x0], $0xffff  }
0xcb: {  	v47 =	vld.idx.msk [tilespmem:v54+s22+$0x0], $0xffff  }
0xcc: {  	v54 =	vor.u32 s24, v33;
	v53 =	vld.idx.msk [tilespmem:v53+s22+$0x0], $0xffff;
	v50 =	vor.u32 v7, v43  }
0xcd: {  	v10 =	vor.u32 s24, v34;
	v48 =	vld.idx.msk [tilespmem:v56+s22+$0x0], $0xffff  }
0xce: {  	v42 =	vor.u32 s24, v35;
	v44 =	vld.idx.msk [tilespmem:v57+s22+$0x0], $0xffff  }
0xcf: {  	v45 =	vld.idx.msk [tilespmem:v58+s22+$0x0], $0xffff;
	v58 =	vor.u32 s24, v36  }
0xd0: {  	v46 =	vld.idx.msk [tilespmem:v59+s22+$0x0], $0xffff;
	v59 =	vor.u32 s24, v37  }
0xd1: {  	v50 =	vld.idx.msk [tilespmem:v50+s22+$0x0], $0xffff;
	[tilespmem:v54+s23+$0x0] =	vst.idx.msk $0xffff, v47;
	v47 =	vor.u32 s24, v38  }
0xd2: {  	[tilespmem:v10+s23+$0x0] =	vst.idx.msk $0xffff, v48;
	v48 =	vor.u32 s24, v5  }
0xd3: {  	v10 =	vor.u32 s24, v6;
	[tilespmem:v42+s23+$0x0] =	vst.idx.msk $0xffff, v44  }
0xd4: {  	v54 =	vor.u32 v20, v43;
	[tilespmem:v58+s23+$0x0] =	vst.idx.msk $0xffff, v45  }
0xd5: {  	v56 =	vor.u32 v21, v43;
	[tilespmem:v59+s23+$0x0] =	vst.idx.msk $0xffff, v46  }
0xd6: {  	v57 =	vor.u32 v22, v43;
	[tilespmem:v47+s23+$0x0] =	vst.idx.msk $0xffff, v50  }
0xd7: {  	v58 =	vor.u32 v23, v43;
	[tilespmem:v48+s23+$0x0] =	vst.idx.msk $0xffff, v52  }
0xd8: {  	v7 =	vld [tilespmem:$0x1FE90];
	[tilespmem:v10+s23+$0x0] =	vst.idx.msk $0xffff, v53;
	v10 =	vor.u32 v25, v43  }
0xd9: {  	v59 =	vor.u32 v24, v43;
	v45 =	vld.idx.msk [tilespmem:v54+s22+$0x0], $0xffff  }
0xda: {  	v52 =	vor.u32 v26, v43;
	v46 =	vld.idx.msk [tilespmem:v56+s22+$0x0], $0xffff  }
0xdb: {  	v53 =	vor.u32 v27, v43;
	v47 =	vld.idx.msk [tilespmem:v57+s22+$0x0], $0xffff;
	v54 =	vor.u32 s24, v28  }
0xdc: {  	v48 =	vld.idx.msk [tilespmem:v58+s22+$0x0], $0xffff;
	v56 =	vor.u32 s24, v30  }
0xdd: {  	v50 =	vld.idx.msk [tilespmem:v10+s22+$0x0], $0xffff;
	v10 =	vor.u32 s24, v2  }
0xde: {  	v44 =	vld.idx.msk [tilespmem:v59+s22+$0x0], $0xffff  }
0xdf: {  	v52 =	vld.idx.msk [tilespmem:v52+s22+$0x0], $0xffff  }
0xe0: {  	v53 =	vld.idx.msk [tilespmem:v53+s22+$0x0], $0xffff;
	[tilespmem:v54+s23+$0x0] =	vst.idx.msk $0xffff, v45  }
0xe1: {  	[tilespmem:v56+s23+$0x0] =	vst.idx.msk $0xffff, v46  }
0xe2: {  	[tilespmem:v10+s23+$0x0] =	vst.idx.msk $0xffff, v47;
	v10 =	vor.u32 s24, v7;
	v7 =	vld [tilespmem:$0x1FEA0];
	_ =	sdelay $0x4  }
0xe3: {  	v54 =	vor.u32 v7, v43;
	v7 =	vld [tilespmem:$0x1FEB0];
	_ =	sdelay $0x4  }
0xe4: {  	v56 =	vor.u32 v7, v43;
	v7 =	vld [tilespmem:$0x1FEC0];
	_ =	sdelay $0x4  }
0xe5: {  	v58 =	vor.u32 s24, v3;
	v57 =	vor.u32 v7, v43;
	v7 =	vld [tilespmem:$0x1FED0];
	_ =	sdelay $0x4  }
0xe6: {  	[tilespmem:v58+s23+$0x0] =	vst.idx.msk $0xffff, v48;
	v58 =	vor.u32 v7, v43;
	v7 =	vld [tilespmem:$0x1FEE0];
	_ =	sdelay $0x3  }
0xe7: {  	v42 =	vor.u32 s24, v49  }
0xe8: {  	v45 =	vor.u32 s24, v55;
	v59 =	vor.u32 v7, v43;
	v7 =	vld [tilespmem:$0x1FEF0];
	_ =	sdelay $0x3  }
0xe9: {  	[tilespmem:v42+s23+$0x0] =	vst.idx.msk $0xffff, v44  }
0xea: {  	v46 =	vor.u32 s24, v41;
	[tilespmem:v45+s23+$0x0] =	vst.idx.msk $0xffff, v50;
	v50 =	vor.u32 v7, v43;
	v7 =	vld [tilespmem:$0x1FF00];
	_ =	sdelay $0x4  }
0xeb: {  	[tilespmem:v46+s23+$0x0] =	vst.idx.msk $0xffff, v52;
	v52 =	vor.u32 v7, v43;
	v7 =	vld [tilespmem:$0x1FF10];
	_ =	sdelay $0x4  }
0xec: {  	[tilespmem:v10+s23+$0x0] =	vst.idx.msk $0xffff, v53;
	v53 =	vor.u32 v7, v43;
	v7 =	vld [tilespmem:$0x1FF20];
	_ =	sdelay $0x4  }
0xed: {  	v10 =	vor.u32 s24, v7;
	v7 =	vld [tilespmem:$0x1FF30];
	_ =	sdelay $0x4  }
0xee: {  	v42 =	vor.u32 s24, v7;
	v7 =	vld [tilespmem:$0x1FF40];
	_ =	sdelay $0x3  }
0xef: {  	v45 =	vld.idx.msk [tilespmem:v57+s22+$0x0], $0xffff  }
0xf0: {  	v57 =	vor.u32 s24, v7;
	v7 =	vld [tilespmem:$0x1FF50];
	_ =	sdelay $0x3  }
0xf1: {  	v46 =	vld.idx.msk [tilespmem:v58+s22+$0x0], $0xffff  }
0xf2: {  	v58 =	vor.u32 s24, v7;
	v7 =	vld [tilespmem:$0x1FF60];
	_ =	sdelay $0x2  }
0xf3: {  	v48 =	vld.idx.msk [tilespmem:v54+s22+$0x0], $0xffff  }
0xf4: {  	v47 =	vld.idx.msk [tilespmem:v59+s22+$0x0], $0xffff  }
0xf5: {  	v59 =	vor.u32 s24, v7;
	v7 =	vld [tilespmem:$0x1FF70]  }
0xf6: {  	v44 =	vld.idx.msk [tilespmem:v56+s22+$0x0], $0xffff  }
0xf7: {  	v50 =	vld.idx.msk [tilespmem:v50+s22+$0x0], $0xffff  }
0xf8: {  	v52 =	vld.idx.msk [tilespmem:v52+s22+$0x0], $0xffff  }
0xf9: {  	v53 =	vld.idx.msk [tilespmem:v53+s22+$0x0], $0xffff  }
0xfa: {  	[tilespmem:v10+s23+$0x0] =	vst.idx.msk $0xffff, v48;
	v10 =	vor.u32 s24, v7;
	v7 =	vld [tilespmem:$0x1FF80];
	_ =	sdelay $0x3  }
0xfb: {  	[tilespmem:v42+s23+$0x0] =	vst.idx.msk $0xffff, v44  }
0xfc: {  	v42 =	vadd.s32 $0xF80, v16;
	[tilespmem:v57+s23+$0x0] =	vst.idx.msk $0xffff, v45;
	v44 =	vor.u32 s24, v7  }
0xfd: {  	v45 =	vor.u32 s24, v42;
	v57 =	vor.u32 $0x20, v18;
	[tilespmem:v58+s23+$0x0] =	vst.idx.msk $0xffff, v46  }
0xfe: {  	v46 =	vor.u32 v57, v43;
	[tilespmem:v59+s23+$0x0] =	vst.idx.msk $0xffff, v47;
	v59 =	vadd.s32 $0x22, v18  }
0xff: {  	v58 =	vadd.s32 $0x21, v18;
	[tilespmem:v10+s23+$0x0] =	vst.idx.msk $0xffff, v50;
	v10 =	vor.u32 v59, v43  }
0x100: {  	v57 =	vadd.s32 $0x25, v18;
	v47 =	vor.u32 v58, v43  }
0x101: {  	v54 =	vadd.s32 $0x23, v18;
	v50 =	vor.u32 v57, v43;
	[tilespmem:v44+s23+$0x0] =	vst.idx.msk $0xffff, v52  }
0x102: {  	v58 =	vadd.s32 $0x26, v18;
	v44 =	vor.u32 v54, v43;
	[tilespmem:v45+s23+$0x0] =	vst.idx.msk $0xffff, v53  }
0x103: {  	v56 =	vadd.s32 $0x24, v18;
	v42 =	vadd.s32 $0x1080, v16;
	v52 =	vor.u32 v58, v43;
	v46 =	vld.idx.msk [tilespmem:v46+s22+$0x0], $0xffff  }
0x104: {  	v59 =	vadd.s32 $0x27, v18;
	v7 =	vmovc v49;
	v45 =	vor.u32 v56, v43;
	v48 =	vld.idx.msk [tilespmem:v10+s22+$0x0], $0xffff;
	v10 =	vor.u32 $0x1000, v16  }
0x105: {  	v49 =	vmovc v30;
	v30 =	vmovc v28;
	v28 =	vmov v27;
	v53 =	vor.u32 v59, v43;
	v47 =	vld.idx.msk [tilespmem:v47+s22+$0x0], $0xffff;
	v54 =	vor.u32 s24, v10  }
0x106: {  	v27 =	vmovc v26;
	v26 =	vmovc v25;
	v25 =	vmov v24;
	v56 =	vor.u32 s24, v42;
	v50 =	vld.idx.msk [tilespmem:v50+s22+$0x0], $0xffff;
	v10 =	vadd.s32 $0x1100, v16  }
0x107: {  	v24 =	vmovc v23;
	v23 =	vmovc v22;
	v22 =	vmov v21;
	v42 =	vadd.s32 $0x1180, v16;
	v57 =	vor.u32 s24, v10;
	v44 =	vld.idx.msk [tilespmem:v44+s22+$0x0], $0xffff  }
0x108: {  	v21 =	vmovc v20;
	v20 =	vmovc v6;
	v6 =	vmov v5;
	v58 =	vor.u32 s24, v42;
	v10 =	vadd.s32 $0x1200, v16;
	v52 =	vld.idx.msk [tilespmem:v52+s22+$0x0], $0xffff  }
0x109: {  	v5 =	vmovc v38;
	v38 =	vmovc v35;
	v35 =	vmov v31;
	v42 =	vadd.s32 $0x1280, v16;
	v59 =	vor.u32 s24, v10;
	v45 =	vld.idx.msk [tilespmem:v45+s22+$0x0], $0xffff  }
0x10a: {  	v31 =	vmovc v4;
	v4 =	vmov v60;
	v60 =	vadd.s32 $0x1300, v16;
	v53 =	vld.idx.msk [tilespmem:v53+s22+$0x0], $0xffff;
	[tilespmem:v54+s23+$0x0] =	vst.idx.msk $0xffff, v46;
	v46 =	vor.u32 s24, v42  }
0x10b: {  	v10 =	vor.u32 s24, v60;
	[tilespmem:v56+s23+$0x0] =	vst.idx.msk $0xffff, v47  }
0x10c: {  	v42 =	vadd.s32 $0x1380, v16;
	[tilespmem:v57+s23+$0x0] =	vst.idx.msk $0xffff, v48  }
0x10d: {  	v48 =	vor.u32 s24, v42;
	v57 =	vadd.s32 $0x28, v18;
	[tilespmem:v58+s23+$0x0] =	vst.idx.msk $0xffff, v44  }
0x10e: {  	v44 =	vor.u32 v57, v43;
	v58 =	vadd.s32 $0x29, v18;
	[tilespmem:v59+s23+$0x0] =	vst.idx.msk $0xffff, v45  }
0x10f: {  	v60 =	vadd.s32 $0x2B, v18;
	v45 =	vor.u32 v58, v43;
	[tilespmem:v46+s23+$0x0] =	vst.idx.msk $0xffff, v50  }
0x110: {  	v59 =	vadd.s32 $0x2A, v18;
	[tilespmem:v10+s23+$0x0] =	vst.idx.msk $0xffff, v52;
	v10 =	vor.u32 v60, v43  }
0x111: {  	v57 =	vadd.s32 $0x2D, v18;
	v46 =	vor.u32 v59, v43  }
0x112: {  	v8 =	vld [tilespmem:$0x1FDE0];
	v58 =	vadd.s32 $0x2E, v18;
	v50 =	vor.u32 v57, v43;
	[tilespmem:v48+s23+$0x0] =	vst.idx.msk $0xffff, v53  }
0x113: {  	v56 =	vadd.s32 $0x2C, v18;
	v52 =	vor.u32 v58, v43;
	v44 =	vld.idx.msk [tilespmem:v44+s22+$0x0], $0xffff  }
0x114: {  	v59 =	vadd.s32 $0x2F, v18;
	v60 =	vadd.s32 $0x1400, v16;
	v48 =	vor.u32 v56, v43;
	v45 =	vld.idx.msk [tilespmem:v45+s22+$0x0], $0xffff  }
0x115: {  	v53 =	vor.u32 v59, v43;
	v54 =	vor.u32 s24, v60;
	v47 =	vld.idx.msk [tilespmem:v10+s22+$0x0], $0xffff;
	v10 =	vadd.s32 $0x1480, v16  }
0x116: {  	v42 =	vadd.s32 $0x1500, v16;
	v46 =	vld.idx.msk [tilespmem:v46+s22+$0x0], $0xffff;
	v56 =	vor.u32 s24, v10  }
0x117: {  	v57 =	vor.u32 s24, v42;
	v60 =	vadd.s32 $0x1580, v16;
	v50 =	vld.idx.msk [tilespmem:v50+s22+$0x0], $0xffff  }
0x118: {  	v58 =	vor.u32 s24, v60;
	v52 =	vld.idx.msk [tilespmem:v52+s22+$0x0], $0xffff  }
0x119: {  	v48 =	vld.idx.msk [tilespmem:v48+s22+$0x0], $0xffff  }
0x11a: {  	v53 =	vld.idx.msk [tilespmem:v53+s22+$0x0], $0xffff;
	[tilespmem:v54+s23+$0x0] =	vst.idx.msk $0xffff, v44  }
0x11b: {  	v10 =	vadd.s32 $0x1600, v16;
	[tilespmem:v56+s23+$0x0] =	vst.idx.msk $0xffff, v45  }
0x11c: {  	v42 =	vadd.s32 $0x1680, v16;
	v59 =	vor.u32 s24, v10;
	[tilespmem:v57+s23+$0x0] =	vst.idx.msk $0xffff, v46  }
0x11d: {  	v54 =	vor.u32 s24, v42;
	[tilespmem:v58+s23+$0x0] =	vst.idx.msk $0xffff, v47;
	v47 =	vsel vm0, v61, v39  }
0x11e: {  	v60 =	vcombine.low v8, v47;
	v8 =	vld [tilespmem:$0x1FE00];
	_ =	sdelay $0x2  }
0x11f: {  	[tilespmem:v59+s23+$0x0] =	vst.idx.msk $0xffff, v48  }
0x120: {  	[tilespmem:v54+s23+$0x0] =	vst.idx.msk $0xffff, v50;
	v50 =	vsel vm0, v62, v40  }
0x121: {  	v42 =	vcombine.low v8, v50;
	v8 =	vld [tilespmem:$0x1FE20];
	_ =	sdelay $0x2  }
0x122: {  	v56 =	vadd.s32 $0x1700, v16  }
0x123: {  	v45 =	vor.u32 s24, v56;
	v56 =	vsel vm0, v63, v51  }
0x124: {  	v58 =	vcombine.low v8, v56;
	v8 =	vld [tilespmem:$0x1FDD0];
	_ =	sdelay $0x3  }
0x125: {  	v59 =	vor.u32 $0x30, v18  }
0x126: {  	v44 =	vor.u32 v59, v43;
	v59 =	vsel vm0, v39, v8;
	v8 =	vld [tilespmem:$0x1FE60];
	_ =	sdelay $0x4  }
0x127: {  	[tilespmem:v45+s23+$0x0] =	vst.idx.msk $0xffff, v52;
	v52 =	vcombine.low v59, v8;
	v8 =	vld [tilespmem:$0x1FDF0];
	_ =	sdelay $0x4  }
0x128: {  	v45 =	vor.u32 v60, v43;
	v60 =	vsel vm0, v40, v8;
	v8 =	vld [tilespmem:$0x1FE50];
	_ =	sdelay $0x3  }
0x129: {  	v57 =	vadd.s32 $0x1780, v16  }
0x12a: {  	v46 =	vor.u32 s24, v57;
	v54 =	vor.u32 v8, v43;
	v8 =	vld [tilespmem:$0x1FE70];
	_ =	sdelay $0x4  }
0x12b: {  	[tilespmem:v46+s23+$0x0] =	vst.idx.msk $0xffff, v53;
	v53 =	vcombine.low v60, v8;
	v8 =	vld [tilespmem:$0x1FE10];
	_ =	sdelay $0x1  }
0x12c: {  	v46 =	vor.u32 v42, v43  }
0x12d: {  	v48 =	vor.u32 v58, v43  }
0x12e: {  	v44 =	vld.idx.msk [tilespmem:v44+s22+$0x0], $0xffff;
	v52 =	vor.u32 v52, v43  }
0x12f: {  	v10 =	vsel vm0, v51, v8;
	v8 =	vld [tilespmem:$0x1FD00]  }
0x130: {  	v45 =	vld.idx.msk [tilespmem:v45+s22+$0x0], $0xffff;
	v57 =	vcombine.low v10, v1  }
0x131: {  	v46 =	vld.idx.msk [tilespmem:v46+s22+$0x0], $0xffff;
	v53 =	vor.u32 v53, v43  }
0x132: {  	v48 =	vld.idx.msk [tilespmem:v48+s22+$0x0], $0xffff;
	v60 =	vor.u32 $0x1800, v16;
	v57 =	vor.u32 v57, v43  }
0x133: {  	v52 =	vld.idx.msk [tilespmem:v52+s22+$0x0], $0xffff;
	v58 =	vor.u32 s24, v60  }
0x134: {  	v59 =	vor.u32 s24, v8;
	v8 =	vld [tilespmem:$0x1FD10]  }
0x135: {  	v54 =	vld.idx.msk [tilespmem:v54+s22+$0x0], $0xffff  }
0x136: {  	v53 =	vld.idx.msk [tilespmem:v53+s22+$0x0], $0xffff  }
0x137: {  	v57 =	vld.idx.msk [tilespmem:v57+s22+$0x0], $0xffff  }
0x138: {  	[tilespmem:v58+s23+$0x0] =	vst.idx.msk $0xffff, v44;
	v58 =	vld [tilespmem:$0x1FD40]  }
0x139: {  	v60 =	vor.u32 s24, v8;
	v8 =	vld [tilespmem:$0x1FD20]  }
0x13a: {  	v10 =	vld [tilespmem:$0x1FD30];
	_ =	sdelay $0x1  }
0x13b: {  	v42 =	vmovc v41;
	v41 =	vmovc v55;
	v55 =	vmov v40;
	v40 =	vmov v37;
	v37 =	vmov v34  }
0x13c: {  	v34 =	vmovc v29;
	v29 =	vmovc v1;
	v1 =	vmov v63;
	v63 =	vmov v61;
	v44 =	vor.u32 s24, v58  }
0x13d: {  	v58 =	vld [tilespmem:$0x1FE30];
	v61 =	vor.u32 s24, v8;
	v8 =	vmovc v3;
	v3 =	vmovc v2;
	v2 =	vmov v51;
	v51 =	vmov v39  }
0x13e: {  	[tilespmem:v59+s23+$0x0] =	vst.idx.msk $0xffff, v45;
	v39 =	vmovc v36;
	v36 =	vmovc v33;
	v33 =	vmov v0;
	v0 =	vmov v62;
	v62 =	vor.u32 s24, v10;
	v10 =	vld [tilespmem:$0x1FE40]  }
0x13f: {  	[tilespmem:v60+s23+$0x0] =	vst.idx.msk $0xffff, v46;
	v60 =	vmov v4;
	v4 =	vmov v31;
	v31 =	vmov v35  }
0x140: {  	v35 =	vmovc v38;
	v38 =	vmovc v5;
	v5 =	vmov v6;
	v6 =	vmov v20;
	v20 =	vmov v21  }
0x141: {  	v21 =	vmovc v22;
	v22 =	vmovc v23;
	v23 =	vmov v24;
	v24 =	vmov v25;
	v25 =	vmov v26  }
0x142: {  	v26 =	vmovc v27;
	v27 =	vmovc v28;
	v28 =	vmov v30;
	v30 =	vmov v49;
	v49 =	vmov v7;
	v7 =	vld [tilespmem:$0x1FD60]  }
0x143: {  	v58 =	vsel vm0, v58, v10;
	v10 =	vld [tilespmem:$0x1FD50];
	_ =	sdelay $0x3  }
0x144: {  	v46 =	vor.u32 s24, v7;
	v7 =	vld [tilespmem:$0x1FC50]  }
0x145: {  	v45 =	vor.u32 s24, v10;
	v10 =	vld [tilespmem:$0x1FE80];
	_ =	sdelay $0x2  }
0x146: {  	[tilespmem:v61+s23+$0x0] =	vst.idx.msk $0xffff, v48  }
0x147: {  	v59 =	vld [tilespmem:$0x1FFD0];
	[tilespmem:v62+s23+$0x0] =	vst.idx.msk $0xffff, v54  }
0x148: {  	[tilespmem:v44+s23+$0x0] =	vst.idx.msk $0xffff, v52;
	v52 =	vor.u32 v7, v43;
	v7 =	vld [tilespmem:$0x1FC60];
	v58 =	vcombine.low v58, v10  }
0x149: {  	v50 =	vcombine.low v50, v32;
	v62 =	vmov v0;
	v0 =	vmov v33  }
0x14a: {  	v47 =	vcombine.low v47, v4;
	v48 =	vor.u32 v58, v43;
	v58 =	vcombine.low v56, v0;
	_ =	sdelay $0x1  }
0x14b: {  	v47 =	vor.u32 v47, v43;
	v10 =	vor.u32 v50, v43;
	v56 =	vor.u32 v58, v43  }
0x14c: {  	v58 =	vor.u32 v59, v43;
	v59 =	vor.u32 v60, v43;
	v43 =	vor.u32 v7, v43;
	v7 =	vld [tilespmem:$0x1FD70];
	_ =	sdelay $0x1  }
0x14d: {  	[tilespmem:v45+s23+$0x0] =	vst.idx.msk $0xffff, v53  }
0x14e: {  	[tilespmem:v46+s23+$0x0] =	vst.idx.msk $0xffff, v57  }
0x14f: {  	v44 =	vld.idx.msk [tilespmem:v10+s22+$0x0], $0xffff  }
0x150: {  	v10 =	vor.u32 s24, v7;
	v7 =	vld [tilespmem:$0x1FD80];
	_ =	sdelay $0x4  }
0x151: {  	v54 =	vor.u32 s24, v7;
	v7 =	vld [tilespmem:$0x1FD90];
	_ =	sdelay $0x3  }
0x152: {  	v45 =	vld.idx.msk [tilespmem:v56+s22+$0x0], $0xffff  }
0x153: {  	v56 =	vor.u32 s24, v7;
	v7 =	vld [tilespmem:$0x1FDA0];
	_ =	sdelay $0x4  }
0x154: {  	v57 =	vor.u32 s24, v7;
	v7 =	vld [tilespmem:$0x1FDB0]  }
0x155: {  	v33 =	vmov v36  }
0x156: {  	v36 =	vmovc v39;
	v39 =	vmovc v51;
	v51 =	vmov v2;
	v2 =	vmov v3;
	v3 =	vmov v8;
	v8 =	vld [tilespmem:$0x1FFB0]  }
0x157: {  	v48 =	vld.idx.msk [tilespmem:v48+s22+$0x0], $0xffff  }
0x158: {  	v46 =	vld.idx.msk [tilespmem:v58+s22+$0x0], $0xffff  }
0x159: {  	v58 =	vor.u32 s24, v7;
	v7 =	vld [tilespmem:$0x1FFA0]  }
0x15a: {  	v47 =	vld.idx.msk [tilespmem:v47+s22+$0x0], $0xffff  }
0x15b: {  	v53 =	vmov v15;
	v15 =	vld [tilespmem:$0x1FFC0]  }
0x15c: {  	v52 =	vld.idx.msk [tilespmem:v52+s22+$0x0], $0xffff  }
0x15d: {  	v50 =	vld.idx.msk [tilespmem:v59+s22+$0x0], $0xffff  }
0x15e: {  	v43 =	vld.idx.msk [tilespmem:v43+s22+$0x0], $0xffff;
	[tilespmem:v10+s23+$0x0] =	vst.idx.msk $0xffff, v48;
	v48 =	vor.u32 s24, v7  }
0x15f: {  	[tilespmem:v54+s23+$0x0] =	vst.idx.msk $0xffff, v47;
	v47 =	vor.u32 s24, v8  }
0x160: {  	p0 =	sne.s32 s24, $0x70;
	v10 =	vor.u32 s24, v15;
	[tilespmem:v56+s23+$0x0] =	vst.idx.msk $0xffff, v44  }
.Ltmp0:
0x161: {  	[tilespmem:v57+s23+$0x0] =	vst.idx.msk $0xffff, v45;
	(pc) =	sbr.rel @p0 .LBB2_3-.Ltmp0, $4  }
0x162: {  	v61 =	vmov v63;
	[tilespmem:v58+s23+$0x0] =	vst.idx.msk $0xffff, v46  }
0x163: {  	v63 =	vmovc v1;
	v1 =	vmovc v29;
	v29 =	vmov v34;
	v34 =	vmov v37;
	v37 =	vmov v40;
	[tilespmem:v48+s23+$0x0] =	vst.idx.msk $0xffff, v50  }
0x164: {  	v40 =	vmovc v55;
	v55 =	vmovc v41;
	v41 =	vmov v42;
	v56 =	vmov v17;
	v57 =	vmov v9;
	[tilespmem:v47+s23+$0x0] =	vst.idx.msk $0xffff, v52  }
0x165: {  	v45 =	vmovc v11;
	v58 =	vmovc v19;
	v19 =	vld [tilespmem:$0x1FF90];
	s24 =	sadd.s32 $0x10, s24;
	v50 =	vmov v13;
	v48 =	vmov v12;
	v52 =	vmov v14;
	[tilespmem:v10+s23+$0x0] =	vst.idx.msk $0xffff, v43  }
0x166: {  	s24 =	sadd.s32 s5, s21  }
0x167: {  	s25 =	sshll.u32 s24, $0x7  }
0x168: {  	s24 =	sshll.u32 s24, $0xA;
	s25 =	sand.u32 $0x3F80, s25  }
0x169: {  	s24 =	sand.u32 $0xFFE0000, s24;
	s25 =	sadd.s32 s1, s25  }
0x16a: {  	p0 =	sgt.u32 s21, $0xC3;
	s24 =	sadd.s32 s24, s25  }
0x16b: {  	[hbm4b:s24+s17] =	stream.strided.scatter [tilespmem:s23], [sflag:$0x2], $0x2000, s18, s17, $0x38;
	[tilespmem:$0x1A400] =	vst v63  }
0x16c: {  	s23 =	sshll.u32 @!p0 s21, $0x7  }
0x16d: {  	s23 =	sand.u32 @!p0 $0x3FFFFF80, s23  }
0x16e: {  	s24 =	simm.s32 @!p0 $0x80;
	s21 =	sadd.s32 $0x1, s21;
	s23 =	sadd.s32 @!p0 $0x200, s23  }
0x16f: {  	[tilespmem:s22], [sflag:$0x1] =	stream.indirect.gather @!p0 [hbm4b:s0+s24], $0x80, s23, s24, $0xb8;
	[tilespmem:$0x1A400] =	vst v63  }
0x170: {  	p0 =	sne.s32 s21, $0xC8  }
.Ltmp1:
0x171: {  	_ = 	snop;
	(pc) =	sbr.rel @p0 .LBB2_2-.Ltmp1, $1  }
0x172: {  	_ =	sdelay $0x3  }
0x173: {  	s20 =	sadd.s32 $0x1, s20  }
0x174: {  	_ =	swait.ge [sflag:s19], $0x2000;
	p0 =	sne.s32 s20, s7  }
.Ltmp2:
0x175: {  	[sflag:s19] =	ssyncset.done $0x0;
	(pc) =	sbr.rel @p0 .LBB2_1-.Ltmp2, $4  }
0x176: {  	[sflag:s19] =	ssyncadd.s32 $0xFFFFE000  }
0x177: {  	_ =	swait.ge [sflag:s19], $0x2000  }
0x178: {  	[sflag:s19] =	ssyncset.done $0x0  }
0x179: {  	[sflag:s19] =	ssyncadd.s32 $0xFFFFE000  }
0x17a: {  	_ =	sfence.sel $0x180000  }
0x17b: {  	[bflag:$0x0] =	sbarrier.arrive $0xFFFF  }
0x17c: {  	p0 =	sne.s32 s2, $0x0;
	_ =	strace $0x90000047  }
0x17d: {  	s0 =	sadd.s32 @!p0 $0x100000, s3;
	[bflag:$0x2] =	sbarrier.arrive $0xFFFF  }
0x17e: {  	[sflag:s0] =	ssyncadd.tile.s32 @!p0 $0x1;
	_ =	shalt  }
.Lfunc_end2:
_tile_overlayer_lowered:
.L_overlay_start_2:
0x17f: {  	(tag) =	ssettag $0x2  }
0x180: {  	s0 =	rddreg [dreg:$0x0];
	s2 =	stileid.u32  }
0x181: {  	s1 =	rddreg [dreg:$0x1];
	p0 =	sne.s32 s2, $0x0  }
0x182: {  	s3 =	rddreg [dreg:$0x2];
	[bflag:$0x3] =	sbarrier.arrive $0xFFFF;
	s2 =	simm.s32 @!p0 $0x1C03  }
0x183: {  	[timem:s3], [sflag:s2] =	dma.local @!p0 [hbm:s0], s1  }
0x184: {  	s0 =	simm.s32 @!p0 $0x3  }
0x185: {  	_ =	swait.ge @!p0 [sflag:s0], s1  }
0x186: {  	s1 =	ssub.s32 @!p0 $0x0, s1;
	[sflag:s0] =	ssyncset.done @!p0 $0x0  }
0x187: {  	[sflag:s0] =	ssyncadd.s32 @!p0 s1  }
0x188: {  	[bflag:$0x3] =	sbarrier.arrive $0xFFFF  }
0x189: {  	_ =	shalt  }

</sc_bundles>
